<compile_context>
chip_gen: v7x
topology: tpu7x:2x2x1
jax: 0.10.2.dev20260603
libtpu: 0.0.44.dev20260713+nightly
codegen_flags: <defaults>
</compile_context>

<pallas_src>
import functools

import jax
import jax.numpy as jnp
from jax import lax
from jax.experimental import pallas as pl
from jax.experimental.pallas import tpu as pltpu
from jax.experimental.pallas import tpu_sc as plsc

D_MODEL = 128
NUM_CORES = 2
NUM_SUBCORES = 16
NUM_WORKERS = NUM_CORES * NUM_SUBCORES
CHUNK = 128
NBUF = 4


@jax.jit
def _run(x, idx2d, pe2d):
    n = x.shape[0]
    rows_per_w = n // NUM_WORKERS
    chunks = rows_per_w // CHUNK
    assert chunks % NBUF == 0 and NBUF >= 3
    mesh = plsc.VectorSubcoreMesh(core_axis_name="c", subcore_axis_name="s")

    @functools.partial(
        pl.kernel,
        mesh=mesh,
        out_type=jax.ShapeDtypeStruct((n, D_MODEL), jnp.float32),
        scratch_types=[
            pltpu.VMEM_SHARED((100, D_MODEL), jnp.float32),
            pltpu.VMEM((chunks, CHUNK), jnp.int32),
        ]
        + [pltpu.VMEM((CHUNK, D_MODEL), jnp.float32) for _ in range(NBUF)]
        + [pltpu.SemaphoreType.DMA for _ in range(3 * NBUF)],
    )
    def k(x_hbm, idx_hbm, pe_hbm, out_hbm, pe_sh, idxs, *rest):
        xb = rest[:NBUF]
        sin = rest[NBUF:2 * NBUF]
        sadd = rest[2 * NBUF:3 * NBUF]
        sout = rest[3 * NBUF:4 * NBUF]
        wid = lax.axis_index("s") * NUM_CORES + lax.axis_index("c")

        @pl.when(lax.axis_index("s") == 0)
        def _():
            pltpu.sync_copy(pe_hbm, pe_sh)

        pltpu.sync_copy(idx_hbm.at[pl.ds(wid * chunks, chunks)], idxs)
        plsc.subcore_barrier()

        def in_copy(g, b):
            base = wid * rows_per_w + g * CHUNK
            return pltpu.make_async_copy(
                x_hbm.at[pl.ds(base, CHUNK)], xb[b], sin[b])

        def add_copy(g, b):
            return pltpu.make_async_copy(pe_sh.at[idxs.at[g]], xb[b], sadd[b])

        def out_copy(g, b):
            base = wid * rows_per_w + g * CHUNK
            return pltpu.make_async_copy(
                xb[b], out_hbm.at[pl.ds(base, CHUNK)], sout[b])

        in_copy(0, 0).start()
        in_copy(1, 1).start()

        def step(g, b):
            b2 = (b + 2) % NBUF
            b1 = (b - 1) % NBUF

            @pl.when(g + 2 < chunks)
            def _():
                @pl.when(g + 2 >= NBUF)
                def _():
                    out_copy(g + 2 - NBUF, b2).wait()

                in_copy(g + 2, b2).start()

            in_copy(g, b).wait()
            add_copy(g, b).start(add=True)

            @pl.when(g >= 1)
            def _():
                add_copy(g - 1, b1).wait()
                out_copy(g - 1, b1).start()

        def block(h, carry):
            for u in range(NBUF):
                step(NBUF * h + u, u)
            return carry

        lax.fori_loop(0, chunks // NBUF, block, 0)
        last = chunks - 1
        add_copy(last, last % NBUF).wait()
        out_copy(last, last % NBUF).start()
        for g in range(chunks - NBUF, chunks):
            out_copy(g, g % NBUF).wait()

    return k(x, idx2d, pe2d)


def kernel(x, layer_index, pe):
    pe2d = pe.reshape(pe.shape[0], pe.shape[-1])
    idx2d = layer_index.reshape(layer_index.shape[0] // CHUNK, CHUNK)
    return _run(x, idx2d, pe2d)

# --- scband reference (transcript-rebuilt; emitter-appended) ---
"""Pipeline reference for scband-topo-layer-encoding-70781061038356 (READ-ONLY COPY).

The authoritative reference and input builder live on the scoring server;
editing this copy changes nothing except your own understanding.
"""

import jax, jax.numpy as jnp
import numpy as np
import math

D_MODEL = 128
MAX_LAYER = 100
N = 262144

def _make_pe():
    pe = np.zeros((MAX_LAYER, D_MODEL), dtype=np.float32)
    position = np.arange(0, MAX_LAYER, dtype=np.float32)[:, None]
    div_term = np.exp(np.arange(0, D_MODEL, 2).astype(np.float32) * (-math.log(10000.0) / D_MODEL))
    pe[:, 0::2] = np.sin(position * div_term)
    pe[:, 1::2] = np.cos(position * div_term)
    # unsqueeze(0).transpose(0,1) -> shape [MAX_LAYER, 1, D_MODEL]
    return jnp.asarray(pe[:, None, :])

def setup_inputs(seed: int = 0):
    key = jax.random.key(seed)
    k1, k2 = jax.random.split(key)
    x = jax.random.normal(k1, (N, D_MODEL), dtype=jnp.float32)
    layer_index = jax.random.randint(k2, (N,), 0, MAX_LAYER, dtype=jnp.int32)
    pe = _make_pe()
    return {"x": x, "layer_index": layer_index, "pe": pe}

def reference(x, layer_index, pe):
    # x = x + self.pe[layer_index].view(x.size())
    gathered = jnp.take(pe, layer_index, axis=0)  # [N, 1, D_MODEL]
    return x + gathered.reshape(x.shape)

if __name__ == "__main__":
    import jax
    _d = setup_inputs()
    print(jax.jit(kernel)(*tuple(_d.values())))

</pallas_src>

<mosaic_0001>
#map = affine_map<(d0, d1) -> (0, 0)>
module attributes {stable_mosaic.version = 14 : i64} {
  func.func @k(%arg0: i32, %arg1: i32, %arg2: memref<262144x128xf32, #tpu.memory_space<hbm>>, %arg3: memref<2048x128xi32, #tpu.memory_space<hbm>>, %arg4: memref<100x128xf32, #tpu.memory_space<hbm>>, %arg5: memref<262144x128xf32, #tpu.memory_space<hbm>>, %arg6: memref<100x128xf32, #tpu.memory_space<vmem_shared>>, %arg7: memref<64x128xi32, #tpu.memory_space<vmem>>, %arg8: memref<128x128xf32, #tpu.memory_space<vmem>>, %arg9: memref<128x128xf32, #tpu.memory_space<vmem>>, %arg10: memref<128x128xf32, #tpu.memory_space<vmem>>, %arg11: memref<128x128xf32, #tpu.memory_space<vmem>>, %arg12: memref<!tpu.dma_semaphore, #tpu.memory_space<semaphore_mem>>, %arg13: memref<!tpu.dma_semaphore, #tpu.memory_space<semaphore_mem>>, %arg14: memref<!tpu.dma_semaphore, #tpu.memory_space<semaphore_mem>>, %arg15: memref<!tpu.dma_semaphore, #tpu.memory_space<semaphore_mem>>, %arg16: memref<!tpu.dma_semaphore, #tpu.memory_space<semaphore_mem>>, %arg17: memref<!tpu.dma_semaphore, #tpu.memory_space<semaphore_mem>>, %arg18: memref<!tpu.dma_semaphore, #tpu.memory_space<semaphore_mem>>, %arg19: memref<!tpu.dma_semaphore, #tpu.memory_space<semaphore_mem>>, %arg20: memref<!tpu.dma_semaphore, #tpu.memory_space<semaphore_mem>>, %arg21: memref<!tpu.dma_semaphore, #tpu.memory_space<semaphore_mem>>, %arg22: memref<!tpu.dma_semaphore, #tpu.memory_space<semaphore_mem>>, %arg23: memref<!tpu.dma_semaphore, #tpu.memory_space<semaphore_mem>>) attributes {dimension_semantics = [#tpu.dimension_semantics<core_parallel>, #tpu.dimension_semantics<subcore_parallel>], iteration_bounds = array<i64: 2, 16>, scalar_prefetch = 0 : i64, scratch_operands = 18 : i64, tpu.core_type = #tpu.core_type<sc_vector_subcore>, window_params = [{transform_indices = #map}, {transform_indices = #map}, {transform_indices = #map}, {transform_indices = #map}]} {
    %mul3A = arith.constant 2 : i32
    %mul3A_0 = arith.muli %arg1, %mul3A : i32
    %add3A = arith.addi %mul3A_0, %arg0 : i32
    %eq3A = arith.constant 0 : i32
    %eq3A_1 = arith.cmpi eq, %arg1, %eq3A : i32
    %convert_element_type3A = arith.extui %eq3A_1 : i1 to i32
    %cond3A = arith.constant 0 : i32
    %cond3A_2 = arith.cmpi ne, %convert_element_type3A, %cond3A : i32
    scf.if %cond3A_2 {
      "tpu.region"() ({
        %run_scoped3A = tpu.sem_alloc : memref<!tpu.dma_semaphore, #tpu.memory_space<semaphore_mem>>
        tpu.enqueue_dma source(%arg4 : memref<100x128xf32, #tpu.memory_space<hbm>>) target(%arg6 : memref<100x128xf32, #tpu.memory_space<vmem_shared>>) target_semaphore(%run_scoped3A : memref<!tpu.dma_semaphore, #tpu.memory_space<semaphore_mem>>)
        tpu.wait_dma2 semaphore(%run_scoped3A : memref<!tpu.dma_semaphore, #tpu.memory_space<semaphore_mem>>) src(%arg4 : memref<100x128xf32, #tpu.memory_space<hbm>>) dst(%arg6 : memref<100x128xf32, #tpu.memory_space<vmem_shared>>)
        tpu.yield
      }) : () -> ()
    } else {
    }
    %mul3A_3 = arith.constant 64 : i32
    %mul3A_4 = arith.muli %add3A, %mul3A_3 : i32
    "tpu.region"() ({
      %run_scoped3A = tpu.sem_alloc : memref<!tpu.dma_semaphore, #tpu.memory_space<semaphore_mem>>
      %dma_start3A_71 = arith.constant 0 : i32
      %dma_start3A_72 = tpu.memref_slice %arg3[%mul3A_4, %dma_start3A_71] : memref<2048x128xi32, #tpu.memory_space<hbm>> -> memref<64x128xi32, #tpu.memory_space<hbm>>
      %dma_start3A_73 = arith.constant 0 : i32
      %dma_start3A_74 = tpu.memref_slice %arg3[%mul3A_4, %dma_start3A_73] : memref<2048x128xi32, #tpu.memory_space<hbm>> -> memref<64x128xi32, #tpu.memory_space<hbm>>
      tpu.enqueue_dma source(%dma_start3A_74 : memref<64x128xi32, #tpu.memory_space<hbm>>) target(%arg7 : memref<64x128xi32, #tpu.memory_space<vmem>>) target_semaphore(%run_scoped3A : memref<!tpu.dma_semaphore, #tpu.memory_space<semaphore_mem>>)
      %dma_wait3A_75 = arith.constant 0 : i32
      %dma_wait3A_76 = tpu.memref_slice %arg3[%mul3A_4, %dma_wait3A_75] : memref<2048x128xi32, #tpu.memory_space<hbm>> -> memref<64x128xi32, #tpu.memory_space<hbm>>
      %dma_wait3A_77 = arith.constant 0 : i32
      %dma_wait3A_78 = tpu.memref_slice %arg3[%mul3A_4, %dma_wait3A_77] : memref<2048x128xi32, #tpu.memory_space<hbm>> -> memref<64x128xi32, #tpu.memory_space<hbm>>
      tpu.wait_dma2 semaphore(%run_scoped3A : memref<!tpu.dma_semaphore, #tpu.memory_space<semaphore_mem>>) src(%dma_wait3A_78 : memref<64x128xi32, #tpu.memory_space<hbm>>) dst(%arg7 : memref<64x128xi32, #tpu.memory_space<vmem>>)
      tpu.yield
    }) : () -> ()
    %barrier3A = arith.constant 0 : index
    tpu.barrier barrier_id(%barrier3A)
    %mul3A_5 = arith.constant 8192 : i32
    %mul3A_6 = arith.muli %add3A, %mul3A_5 : i32
    %add3A_7 = arith.constant 0 : i32
    %add3A_8 = arith.addi %mul3A_6, %add3A_7 : i32
    %dma_start3A = arith.constant 0 : i32
    %dma_start3A_9 = tpu.memref_slice %arg2[%add3A_8, %dma_start3A] : memref<262144x128xf32, #tpu.memory_space<hbm>> -> memref<128x128xf32, #tpu.memory_space<hbm>>
    %dma_start3A_10 = arith.constant 0 : i32
    %dma_start3A_11 = tpu.memref_slice %arg2[%add3A_8, %dma_start3A_10] : memref<262144x128xf32, #tpu.memory_space<hbm>> -> memref<128x128xf32, #tpu.memory_space<hbm>>
    tpu.enqueue_dma source(%dma_start3A_11 : memref<128x128xf32, #tpu.memory_space<hbm>>) target(%arg8 : memref<128x128xf32, #tpu.memory_space<vmem>>) target_semaphore(%arg12 : memref<!tpu.dma_semaphore, #tpu.memory_space<semaphore_mem>>)
    %mul3A_12 = arith.constant 8192 : i32
    %mul3A_13 = arith.muli %add3A, %mul3A_12 : i32
    %add3A_14 = arith.constant 128 : i32
    %add3A_15 = arith.addi %mul3A_13, %add3A_14 : i32
    %dma_start3A_16 = arith.constant 0 : i32
    %dma_start3A_17 = tpu.memref_slice %arg2[%add3A_15, %dma_start3A_16] : memref<262144x128xf32, #tpu.memory_space<hbm>> -> memref<128x128xf32, #tpu.memory_space<hbm>>
    %dma_start3A_18 = arith.constant 0 : i32
    %dma_start3A_19 = tpu.memref_slice %arg2[%add3A_15, %dma_start3A_18] : memref<262144x128xf32, #tpu.memory_space<hbm>> -> memref<128x128xf32, #tpu.memory_space<hbm>>
    tpu.enqueue_dma source(%dma_start3A_19 : memref<128x128xf32, #tpu.memory_space<hbm>>) target(%arg9 : memref<128x128xf32, #tpu.memory_space<vmem>>) target_semaphore(%arg13 : memref<!tpu.dma_semaphore, #tpu.memory_space<semaphore_mem>>)
    %scan3A = arith.constant 0 : i32
    %scan3A_20 = arith.constant 0 : i32
    %scan3A_21 = arith.constant 16 : i32
    %scan3A_22 = arith.addi %scan3A_20, %scan3A_21 : i32
    %scan3A_23 = arith.constant 1 : i32
    scf.for %scan3A_71 = %scan3A_20 to %scan3A_22 step %scan3A_23  : i32 {
      %mul3A_72 = arith.constant 4 : i32
      %mul3A_73 = arith.muli %mul3A_72, %scan3A_71 : i32
      %add3A_74 = arith.constant 0 : i32
      %add3A_75 = arith.addi %mul3A_73, %add3A_74 : i32
      %add3A_76 = arith.constant 2 : i32
      %add3A_77 = arith.addi %add3A_75, %add3A_76 : i32
      %lt3A = arith.constant 64 : i32
      %lt3A_78 = arith.cmpi slt, %add3A_77, %lt3A : i32
      %convert_element_type3A_79 = arith.extui %lt3A_78 : i1 to i32
      %cond3A_80 = arith.constant 0 : i32
      %cond3A_81 = arith.cmpi ne, %convert_element_type3A_79, %cond3A_80 : i32
      scf.if %cond3A_81 {
        %add3A_194 = arith.constant 2 : i32
        %add3A_195 = arith.addi %add3A_75, %add3A_194 : i32
        %ge3A_196 = arith.constant 4 : i32
        %ge3A_197 = arith.cmpi sge, %add3A_195, %ge3A_196 : i32
        %convert_element_type3A_198 = arith.extui %ge3A_197 : i1 to i32
        %cond3A_199 = arith.constant 0 : i32
        %cond3A_200 = arith.cmpi ne, %convert_element_type3A_198, %cond3A_199 : i32
        scf.if %cond3A_200 {
          %add3A_212 = arith.constant 2 : i32
          %add3A_213 = arith.addi %add3A_75, %add3A_212 : i32
          %sub3A = arith.constant 4 : i32
          %sub3A_214 = arith.subi %add3A_213, %sub3A : i32
          %mul3A_215 = arith.constant 8192 : i32
          %mul3A_216 = arith.muli %add3A, %mul3A_215 : i32
          %mul3A_217 = arith.constant 128 : i32
          %mul3A_218 = arith.muli %sub3A_214, %mul3A_217 : i32
          %add3A_219 = arith.addi %mul3A_216, %mul3A_218 : i32
          %dma_wait3A_220 = arith.constant 0 : i32
          %dma_wait3A_221 = tpu.memref_slice %arg5[%add3A_219, %dma_wait3A_220] : memref<262144x128xf32, #tpu.memory_space<hbm>> -> memref<128x128xf32, #tpu.memory_space<hbm>>
          %dma_wait3A_222 = arith.constant 0 : i32
          %dma_wait3A_223 = tpu.memref_slice %arg5[%add3A_219, %dma_wait3A_222] : memref<262144x128xf32, #tpu.memory_space<hbm>> -> memref<128x128xf32, #tpu.memory_space<hbm>>
          tpu.wait_dma2 semaphore(%arg22 : memref<!tpu.dma_semaphore, #tpu.memory_space<semaphore_mem>>) src(%arg10 : memref<128x128xf32, #tpu.memory_space<vmem>>) dst(%dma_wait3A_223 : memref<128x128xf32, #tpu.memory_space<hbm>>)
        } else {
        }
        %add3A_201 = arith.constant 2 : i32
        %add3A_202 = arith.addi %add3A_75, %add3A_201 : i32
        %mul3A_203 = arith.constant 8192 : i32
        %mul3A_204 = arith.muli %add3A, %mul3A_203 : i32
        %mul3A_205 = arith.constant 128 : i32
        %mul3A_206 = arith.muli %add3A_202, %mul3A_205 : i32
        %add3A_207 = arith.addi %mul3A_204, %mul3A_206 : i32
        %dma_start3A_208 = arith.constant 0 : i32
        %dma_start3A_209 = tpu.memref_slice %arg2[%add3A_207, %dma_start3A_208] : memref<262144x128xf32, #tpu.memory_space<hbm>> -> memref<128x128xf32, #tpu.memory_space<hbm>>
        %dma_start3A_210 = arith.constant 0 : i32
        %dma_start3A_211 = tpu.memref_slice %arg2[%add3A_207, %dma_start3A_210] : memref<262144x128xf32, #tpu.memory_space<hbm>> -> memref<128x128xf32, #tpu.memory_space<hbm>>
        tpu.enqueue_dma source(%dma_start3A_211 : memref<128x128xf32, #tpu.memory_space<hbm>>) target(%arg10 : memref<128x128xf32, #tpu.memory_space<vmem>>) target_semaphore(%arg14 : memref<!tpu.dma_semaphore, #tpu.memory_space<semaphore_mem>>)
      } else {
      }
      %mul3A_82 = arith.constant 8192 : i32
      %mul3A_83 = arith.muli %add3A, %mul3A_82 : i32
      %mul3A_84 = arith.constant 128 : i32
      %mul3A_85 = arith.muli %add3A_75, %mul3A_84 : i32
      %add3A_86 = arith.addi %mul3A_83, %mul3A_85 : i32
      %dma_wait3A_87 = arith.constant 0 : i32
      %dma_wait3A_88 = tpu.memref_slice %arg2[%add3A_86, %dma_wait3A_87] : memref<262144x128xf32, #tpu.memory_space<hbm>> -> memref<128x128xf32, #tpu.memory_space<hbm>>
      %dma_wait3A_89 = arith.constant 0 : i32
      %dma_wait3A_90 = tpu.memref_slice %arg2[%add3A_86, %dma_wait3A_89] : memref<262144x128xf32, #tpu.memory_space<hbm>> -> memref<128x128xf32, #tpu.memory_space<hbm>>
      tpu.wait_dma2 semaphore(%arg12 : memref<!tpu.dma_semaphore, #tpu.memory_space<semaphore_mem>>) src(%dma_wait3A_90 : memref<128x128xf32, #tpu.memory_space<hbm>>) dst(%arg8 : memref<128x128xf32, #tpu.memory_space<vmem>>)
      %dma_start3A_91 = arith.constant 0 : i32
      %dma_start3A_92 = tpu.memref_slice %arg7[%add3A_75, %dma_start3A_91] : memref<64x128xi32, #tpu.memory_space<vmem>> -> memref<1x128xi32, #tpu.memory_space<vmem>>
      %dma_start3A_93 = tpu.memref_squeeze %dma_start3A_92 : memref<1x128xi32, #tpu.memory_space<vmem>> -> memref<128xi32, #tpu.memory_space<vmem>>
      %dma_start3A_94 = arith.constant 0 : i32
      %dma_start3A_95 = arith.constant 0 : i32
      %dma_start3A_96 = tpu.memref_slice %arg6[%dma_start3A_94, %dma_start3A_95] : memref<100x128xf32, #tpu.memory_space<vmem_shared>> -> memref<100x128xf32, #tpu.memory_space<vmem_shared>>
      tpu.enqueue_indirect_dma source(%dma_start3A_96 : memref<100x128xf32, #tpu.memory_space<vmem_shared>>) target(%arg8 : memref<128x128xf32, #tpu.memory_space<vmem>>) offsets(%dma_start3A_93 : memref<128xi32, #tpu.memory_space<vmem>>) semaphore(%arg16 : memref<!tpu.dma_semaphore, #tpu.memory_space<semaphore_mem>>) {add = true}
      %ge3A = arith.constant 1 : i32
      %ge3A_97 = arith.cmpi sge, %add3A_75, %ge3A : i32
      %convert_element_type3A_98 = arith.extui %ge3A_97 : i1 to i32
      %cond3A_99 = arith.constant 0 : i32
      %cond3A_100 = arith.cmpi ne, %convert_element_type3A_98, %cond3A_99 : i32
      scf.if %cond3A_100 {
        %sub3A = arith.constant 1 : i32
        %sub3A_194 = arith.subi %add3A_75, %sub3A : i32
        %dma_wait3A_195 = arith.constant 0 : i32
        %dma_wait3A_196 = tpu.memref_slice %arg7[%sub3A_194, %dma_wait3A_195] : memref<64x128xi32, #tpu.memory_space<vmem>> -> memref<1x128xi32, #tpu.memory_space<vmem>>
        %dma_wait3A_197 = tpu.memref_squeeze %dma_wait3A_196 : memref<1x128xi32, #tpu.memory_space<vmem>> -> memref<128xi32, #tpu.memory_space<vmem>>
        %dma_wait3A_198 = arith.constant 0 : i32
        %dma_wait3A_199 = arith.constant 0 : i32
        %dma_wait3A_200 = tpu.memref_slice %arg6[%dma_wait3A_198, %dma_wait3A_199] : memref<100x128xf32, #tpu.memory_space<vmem_shared>> -> memref<100x128xf32, #tpu.memory_space<vmem_shared>>
        tpu.wait_indirect_dma semaphore(%arg19 : memref<!tpu.dma_semaphore, #tpu.memory_space<semaphore_mem>>) src(%dma_wait3A_200 : memref<100x128xf32, #tpu.memory_space<vmem_shared>>) dst(%arg11 : memref<128x128xf32, #tpu.memory_space<vmem>>)
        %sub3A_201 = arith.constant 1 : i32
        %sub3A_202 = arith.subi %add3A_75, %sub3A_201 : i32
        %mul3A_203 = arith.constant 8192 : i32
        %mul3A_204 = arith.muli %add3A, %mul3A_203 : i32
        %mul3A_205 = arith.constant 128 : i32
        %mul3A_206 = arith.muli %sub3A_202, %mul3A_205 : i32
        %add3A_207 = arith.addi %mul3A_204, %mul3A_206 : i32
        %dma_start3A_208 = arith.constant 0 : i32
        %dma_start3A_209 = tpu.memref_slice %arg5[%add3A_207, %dma_start3A_208] : memref<262144x128xf32, #tpu.memory_space<hbm>> -> memref<128x128xf32, #tpu.memory_space<hbm>>
        %dma_start3A_210 = arith.constant 0 : i32
        %dma_start3A_211 = tpu.memref_slice %arg5[%add3A_207, %dma_start3A_210] : memref<262144x128xf32, #tpu.memory_space<hbm>> -> memref<128x128xf32, #tpu.memory_space<hbm>>
        tpu.enqueue_dma source(%arg11 : memref<128x128xf32, #tpu.memory_space<vmem>>) target(%dma_start3A_211 : memref<128x128xf32, #tpu.memory_space<hbm>>) target_semaphore(%arg23 : memref<!tpu.dma_semaphore, #tpu.memory_space<semaphore_mem>>)
      } else {
      }
      %mul3A_101 = arith.constant 4 : i32
      %mul3A_102 = arith.muli %mul3A_101, %scan3A_71 : i32
      %add3A_103 = arith.constant 1 : i32
      %add3A_104 = arith.addi %mul3A_102, %add3A_103 : i32
      %add3A_105 = arith.constant 2 : i32
      %add3A_106 = arith.addi %add3A_104, %add3A_105 : i32
      %lt3A_107 = arith.constant 64 : i32
      %lt3A_108 = arith.cmpi slt, %add3A_106, %lt3A_107 : i32
      %convert_element_type3A_109 = arith.extui %lt3A_108 : i1 to i32
      %cond3A_110 = arith.constant 0 : i32
      %cond3A_111 = arith.cmpi ne, %convert_element_type3A_109, %cond3A_110 : i32
      scf.if %cond3A_111 {
        %add3A_194 = arith.constant 2 : i32
        %add3A_195 = arith.addi %add3A_104, %add3A_194 : i32
        %ge3A_196 = arith.constant 4 : i32
        %ge3A_197 = arith.cmpi sge, %add3A_195, %ge3A_196 : i32
        %convert_element_type3A_198 = arith.extui %ge3A_197 : i1 to i32
        %cond3A_199 = arith.constant 0 : i32
        %cond3A_200 = arith.cmpi ne, %convert_element_type3A_198, %cond3A_199 : i32
        scf.if %cond3A_200 {
          %add3A_212 = arith.constant 2 : i32
          %add3A_213 = arith.addi %add3A_104, %add3A_212 : i32
          %sub3A = arith.constant 4 : i32
          %sub3A_214 = arith.subi %add3A_213, %sub3A : i32
          %mul3A_215 = arith.constant 8192 : i32
          %mul3A_216 = arith.muli %add3A, %mul3A_215 : i32
          %mul3A_217 = arith.constant 128 : i32
          %mul3A_218 = arith.muli %sub3A_214, %mul3A_217 : i32
          %add3A_219 = arith.addi %mul3A_216, %mul3A_218 : i32
          %dma_wait3A_220 = arith.constant 0 : i32
          %dma_wait3A_221 = tpu.memref_slice %arg5[%add3A_219, %dma_wait3A_220] : memref<262144x128xf32, #tpu.memory_space<hbm>> -> memref<128x128xf32, #tpu.memory_space<hbm>>
          %dma_wait3A_222 = arith.constant 0 : i32
          %dma_wait3A_223 = tpu.memref_slice %arg5[%add3A_219, %dma_wait3A_222] : memref<262144x128xf32, #tpu.memory_space<hbm>> -> memref<128x128xf32, #tpu.memory_space<hbm>>
          tpu.wait_dma2 semaphore(%arg23 : memref<!tpu.dma_semaphore, #tpu.memory_space<semaphore_mem>>) src(%arg11 : memref<128x128xf32, #tpu.memory_space<vmem>>) dst(%dma_wait3A_223 : memref<128x128xf32, #tpu.memory_space<hbm>>)
        } else {
        }
        %add3A_201 = arith.constant 2 : i32
        %add3A_202 = arith.addi %add3A_104, %add3A_201 : i32
        %mul3A_203 = arith.constant 8192 : i32
        %mul3A_204 = arith.muli %add3A, %mul3A_203 : i32
        %mul3A_205 = arith.constant 128 : i32
        %mul3A_206 = arith.muli %add3A_202, %mul3A_205 : i32
        %add3A_207 = arith.addi %mul3A_204, %mul3A_206 : i32
        %dma_start3A_208 = arith.constant 0 : i32
        %dma_start3A_209 = tpu.memref_slice %arg2[%add3A_207, %dma_start3A_208] : memref<262144x128xf32, #tpu.memory_space<hbm>> -> memref<128x128xf32, #tpu.memory_space<hbm>>
        %dma_start3A_210 = arith.constant 0 : i32
        %dma_start3A_211 = tpu.memref_slice %arg2[%add3A_207, %dma_start3A_210] : memref<262144x128xf32, #tpu.memory_space<hbm>> -> memref<128x128xf32, #tpu.memory_space<hbm>>
        tpu.enqueue_dma source(%dma_start3A_211 : memref<128x128xf32, #tpu.memory_space<hbm>>) target(%arg11 : memref<128x128xf32, #tpu.memory_space<vmem>>) target_semaphore(%arg15 : memref<!tpu.dma_semaphore, #tpu.memory_space<semaphore_mem>>)
      } else {
      }
      %mul3A_112 = arith.constant 8192 : i32
      %mul3A_113 = arith.muli %add3A, %mul3A_112 : i32
      %mul3A_114 = arith.constant 128 : i32
      %mul3A_115 = arith.muli %add3A_104, %mul3A_114 : i32
      %add3A_116 = arith.addi %mul3A_113, %mul3A_115 : i32
      %dma_wait3A_117 = arith.constant 0 : i32
      %dma_wait3A_118 = tpu.memref_slice %arg2[%add3A_116, %dma_wait3A_117] : memref<262144x128xf32, #tpu.memory_space<hbm>> -> memref<128x128xf32, #tpu.memory_space<hbm>>
      %dma_wait3A_119 = arith.constant 0 : i32
      %dma_wait3A_120 = tpu.memref_slice %arg2[%add3A_116, %dma_wait3A_119] : memref<262144x128xf32, #tpu.memory_space<hbm>> -> memref<128x128xf32, #tpu.memory_space<hbm>>
      tpu.wait_dma2 semaphore(%arg13 : memref<!tpu.dma_semaphore, #tpu.memory_space<semaphore_mem>>) src(%dma_wait3A_120 : memref<128x128xf32, #tpu.memory_space<hbm>>) dst(%arg9 : memref<128x128xf32, #tpu.memory_space<vmem>>)
      %dma_start3A_121 = arith.constant 0 : i32
      %dma_start3A_122 = tpu.memref_slice %arg7[%add3A_104, %dma_start3A_121] : memref<64x128xi32, #tpu.memory_space<vmem>> -> memref<1x128xi32, #tpu.memory_space<vmem>>
      %dma_start3A_123 = tpu.memref_squeeze %dma_start3A_122 : memref<1x128xi32, #tpu.memory_space<vmem>> -> memref<128xi32, #tpu.memory_space<vmem>>
      %dma_start3A_124 = arith.constant 0 : i32
      %dma_start3A_125 = arith.constant 0 : i32
      %dma_start3A_126 = tpu.memref_slice %arg6[%dma_start3A_124, %dma_start3A_125] : memref<100x128xf32, #tpu.memory_space<vmem_shared>> -> memref<100x128xf32, #tpu.memory_space<vmem_shared>>
      tpu.enqueue_indirect_dma source(%dma_start3A_126 : memref<100x128xf32, #tpu.memory_space<vmem_shared>>) target(%arg9 : memref<128x128xf32, #tpu.memory_space<vmem>>) offsets(%dma_start3A_123 : memref<128xi32, #tpu.memory_space<vmem>>) semaphore(%arg17 : memref<!tpu.dma_semaphore, #tpu.memory_space<semaphore_mem>>) {add = true}
      %ge3A_127 = arith.constant 1 : i32
      %ge3A_128 = arith.cmpi sge, %add3A_104, %ge3A_127 : i32
      %convert_element_type3A_129 = arith.extui %ge3A_128 : i1 to i32
      %cond3A_130 = arith.constant 0 : i32
      %cond3A_131 = arith.cmpi ne, %convert_element_type3A_129, %cond3A_130 : i32
      scf.if %cond3A_131 {
        %sub3A = arith.constant 1 : i32
        %sub3A_194 = arith.subi %add3A_104, %sub3A : i32
        %dma_wait3A_195 = arith.constant 0 : i32
        %dma_wait3A_196 = tpu.memref_slice %arg7[%sub3A_194, %dma_wait3A_195] : memref<64x128xi32, #tpu.memory_space<vmem>> -> memref<1x128xi32, #tpu.memory_space<vmem>>
        %dma_wait3A_197 = tpu.memref_squeeze %dma_wait3A_196 : memref<1x128xi32, #tpu.memory_space<vmem>> -> memref<128xi32, #tpu.memory_space<vmem>>
        %dma_wait3A_198 = arith.constant 0 : i32
        %dma_wait3A_199 = arith.constant 0 : i32
        %dma_wait3A_200 = tpu.memref_slice %arg6[%dma_wait3A_198, %dma_wait3A_199] : memref<100x128xf32, #tpu.memory_space<vmem_shared>> -> memref<100x128xf32, #tpu.memory_space<vmem_shared>>
        tpu.wait_indirect_dma semaphore(%arg16 : memref<!tpu.dma_semaphore, #tpu.memory_space<semaphore_mem>>) src(%dma_wait3A_200 : memref<100x128xf32, #tpu.memory_space<vmem_shared>>) dst(%arg8 : memref<128x128xf32, #tpu.memory_space<vmem>>)
        %sub3A_201 = arith.constant 1 : i32
        %sub3A_202 = arith.subi %add3A_104, %sub3A_201 : i32
        %mul3A_203 = arith.constant 8192 : i32
        %mul3A_204 = arith.muli %add3A, %mul3A_203 : i32
        %mul3A_205 = arith.constant 128 : i32
        %mul3A_206 = arith.muli %sub3A_202, %mul3A_205 : i32
        %add3A_207 = arith.addi %mul3A_204, %mul3A_206 : i32
        %dma_start3A_208 = arith.constant 0 : i32
        %dma_start3A_209 = tpu.memref_slice %arg5[%add3A_207, %dma_start3A_208] : memref<262144x128xf32, #tpu.memory_space<hbm>> -> memref<128x128xf32, #tpu.memory_space<hbm>>
        %dma_start3A_210 = arith.constant 0 : i32
        %dma_start3A_211 = tpu.memref_slice %arg5[%add3A_207, %dma_start3A_210] : memref<262144x128xf32, #tpu.memory_space<hbm>> -> memref<128x128xf32, #tpu.memory_space<hbm>>
        tpu.enqueue_dma source(%arg8 : memref<128x128xf32, #tpu.memory_space<vmem>>) target(%dma_start3A_211 : memref<128x128xf32, #tpu.memory_space<hbm>>) target_semaphore(%arg20 : memref<!tpu.dma_semaphore, #tpu.memory_space<semaphore_mem>>)
      } else {
      }
      %mul3A_132 = arith.constant 4 : i32
      %mul3A_133 = arith.muli %mul3A_132, %scan3A_71 : i32
      %add3A_134 = arith.constant 2 : i32
      %add3A_135 = arith.addi %mul3A_133, %add3A_134 : i32
      %add3A_136 = arith.constant 2 : i32
      %add3A_137 = arith.addi %add3A_135, %add3A_136 : i32
      %lt3A_138 = arith.constant 64 : i32
      %lt3A_139 = arith.cmpi slt, %add3A_137, %lt3A_138 : i32
      %convert_element_type3A_140 = arith.extui %lt3A_139 : i1 to i32
      %cond3A_141 = arith.constant 0 : i32
      %cond3A_142 = arith.cmpi ne, %convert_element_type3A_140, %cond3A_141 : i32
      scf.if %cond3A_142 {
        %add3A_194 = arith.constant 2 : i32
        %add3A_195 = arith.addi %add3A_135, %add3A_194 : i32
        %ge3A_196 = arith.constant 4 : i32
        %ge3A_197 = arith.cmpi sge, %add3A_195, %ge3A_196 : i32
        %convert_element_type3A_198 = arith.extui %ge3A_197 : i1 to i32
        %cond3A_199 = arith.constant 0 : i32
        %cond3A_200 = arith.cmpi ne, %convert_element_type3A_198, %cond3A_199 : i32
        scf.if %cond3A_200 {
          %add3A_212 = arith.constant 2 : i32
          %add3A_213 = arith.addi %add3A_135, %add3A_212 : i32
          %sub3A = arith.constant 4 : i32
          %sub3A_214 = arith.subi %add3A_213, %sub3A : i32
          %mul3A_215 = arith.constant 8192 : i32
          %mul3A_216 = arith.muli %add3A, %mul3A_215 : i32
          %mul3A_217 = arith.constant 128 : i32
          %mul3A_218 = arith.muli %sub3A_214, %mul3A_217 : i32
          %add3A_219 = arith.addi %mul3A_216, %mul3A_218 : i32
          %dma_wait3A_220 = arith.constant 0 : i32
          %dma_wait3A_221 = tpu.memref_slice %arg5[%add3A_219, %dma_wait3A_220] : memref<262144x128xf32, #tpu.memory_space<hbm>> -> memref<128x128xf32, #tpu.memory_space<hbm>>
          %dma_wait3A_222 = arith.constant 0 : i32
          %dma_wait3A_223 = tpu.memref_slice %arg5[%add3A_219, %dma_wait3A_222] : memref<262144x128xf32, #tpu.memory_space<hbm>> -> memref<128x128xf32, #tpu.memory_space<hbm>>
          tpu.wait_dma2 semaphore(%arg20 : memref<!tpu.dma_semaphore, #tpu.memory_space<semaphore_mem>>) src(%arg8 : memref<128x128xf32, #tpu.memory_space<vmem>>) dst(%dma_wait3A_223 : memref<128x128xf32, #tpu.memory_space<hbm>>)
        } else {
        }
        %add3A_201 = arith.constant 2 : i32
        %add3A_202 = arith.addi %add3A_135, %add3A_201 : i32
        %mul3A_203 = arith.constant 8192 : i32
        %mul3A_204 = arith.muli %add3A, %mul3A_203 : i32
        %mul3A_205 = arith.constant 128 : i32
        %mul3A_206 = arith.muli %add3A_202, %mul3A_205 : i32
        %add3A_207 = arith.addi %mul3A_204, %mul3A_206 : i32
        %dma_start3A_208 = arith.constant 0 : i32
        %dma_start3A_209 = tpu.memref_slice %arg2[%add3A_207, %dma_start3A_208] : memref<262144x128xf32, #tpu.memory_space<hbm>> -> memref<128x128xf32, #tpu.memory_space<hbm>>
        %dma_start3A_210 = arith.constant 0 : i32
        %dma_start3A_211 = tpu.memref_slice %arg2[%add3A_207, %dma_start3A_210] : memref<262144x128xf32, #tpu.memory_space<hbm>> -> memref<128x128xf32, #tpu.memory_space<hbm>>
        tpu.enqueue_dma source(%dma_start3A_211 : memref<128x128xf32, #tpu.memory_space<hbm>>) target(%arg8 : memref<128x128xf32, #tpu.memory_space<vmem>>) target_semaphore(%arg12 : memref<!tpu.dma_semaphore, #tpu.memory_space<semaphore_mem>>)
      } else {
      }
      %mul3A_143 = arith.constant 8192 : i32
      %mul3A_144 = arith.muli %add3A, %mul3A_143 : i32
      %mul3A_145 = arith.constant 128 : i32
      %mul3A_146 = arith.muli %add3A_135, %mul3A_145 : i32
      %add3A_147 = arith.addi %mul3A_144, %mul3A_146 : i32
      %dma_wait3A_148 = arith.constant 0 : i32
      %dma_wait3A_149 = tpu.memref_slice %arg2[%add3A_147, %dma_wait3A_148] : memref<262144x128xf32, #tpu.memory_space<hbm>> -> memref<128x128xf32, #tpu.memory_space<hbm>>
      %dma_wait3A_150 = arith.constant 0 : i32
      %dma_wait3A_151 = tpu.memref_slice %arg2[%add3A_147, %dma_wait3A_150] : memref<262144x128xf32, #tpu.memory_space<hbm>> -> memref<128x128xf32, #tpu.memory_space<hbm>>
      tpu.wait_dma2 semaphore(%arg14 : memref<!tpu.dma_semaphore, #tpu.memory_space<semaphore_mem>>) src(%dma_wait3A_151 : memref<128x128xf32, #tpu.memory_space<hbm>>) dst(%arg10 : memref<128x128xf32, #tpu.memory_space<vmem>>)
      %dma_start3A_152 = arith.constant 0 : i32
      %dma_start3A_153 = tpu.memref_slice %arg7[%add3A_135, %dma_start3A_152] : memref<64x128xi32, #tpu.memory_space<vmem>> -> memref<1x128xi32, #tpu.memory_space<vmem>>
      %dma_start3A_154 = tpu.memref_squeeze %dma_start3A_153 : memref<1x128xi32, #tpu.memory_space<vmem>> -> memref<128xi32, #tpu.memory_space<vmem>>
      %dma_start3A_155 = arith.constant 0 : i32
      %dma_start3A_156 = arith.constant 0 : i32
      %dma_start3A_157 = tpu.memref_slice %arg6[%dma_start3A_155, %dma_start3A_156] : memref<100x128xf32, #tpu.memory_space<vmem_shared>> -> memref<100x128xf32, #tpu.memory_space<vmem_shared>>
      tpu.enqueue_indirect_dma source(%dma_start3A_157 : memref<100x128xf32, #tpu.memory_space<vmem_shared>>) target(%arg10 : memref<128x128xf32, #tpu.memory_space<vmem>>) offsets(%dma_start3A_154 : memref<128xi32, #tpu.memory_space<vmem>>) semaphore(%arg18 : memref<!tpu.dma_semaphore, #tpu.memory_space<semaphore_mem>>) {add = true}
      %ge3A_158 = arith.constant 1 : i32
      %ge3A_159 = arith.cmpi sge, %add3A_135, %ge3A_158 : i32
      %convert_element_type3A_160 = arith.extui %ge3A_159 : i1 to i32
      %cond3A_161 = arith.constant 0 : i32
      %cond3A_162 = arith.cmpi ne, %convert_element_type3A_160, %cond3A_161 : i32
      scf.if %cond3A_162 {
        %sub3A = arith.constant 1 : i32
        %sub3A_194 = arith.subi %add3A_135, %sub3A : i32
        %dma_wait3A_195 = arith.constant 0 : i32
        %dma_wait3A_196 = tpu.memref_slice %arg7[%sub3A_194, %dma_wait3A_195] : memref<64x128xi32, #tpu.memory_space<vmem>> -> memref<1x128xi32, #tpu.memory_space<vmem>>
        %dma_wait3A_197 = tpu.memref_squeeze %dma_wait3A_196 : memref<1x128xi32, #tpu.memory_space<vmem>> -> memref<128xi32, #tpu.memory_space<vmem>>
        %dma_wait3A_198 = arith.constant 0 : i32
        %dma_wait3A_199 = arith.constant 0 : i32
        %dma_wait3A_200 = tpu.memref_slice %arg6[%dma_wait3A_198, %dma_wait3A_199] : memref<100x128xf32, #tpu.memory_space<vmem_shared>> -> memref<100x128xf32, #tpu.memory_space<vmem_shared>>
        tpu.wait_indirect_dma semaphore(%arg17 : memref<!tpu.dma_semaphore, #tpu.memory_space<semaphore_mem>>) src(%dma_wait3A_200 : memref<100x128xf32, #tpu.memory_space<vmem_shared>>) dst(%arg9 : memref<128x128xf32, #tpu.memory_space<vmem>>)
        %sub3A_201 = arith.constant 1 : i32
        %sub3A_202 = arith.subi %add3A_135, %sub3A_201 : i32
        %mul3A_203 = arith.constant 8192 : i32
        %mul3A_204 = arith.muli %add3A, %mul3A_203 : i32
        %mul3A_205 = arith.constant 128 : i32
        %mul3A_206 = arith.muli %sub3A_202, %mul3A_205 : i32
        %add3A_207 = arith.addi %mul3A_204, %mul3A_206 : i32
        %dma_start3A_208 = arith.constant 0 : i32
        %dma_start3A_209 = tpu.memref_slice %arg5[%add3A_207, %dma_start3A_208] : memref<262144x128xf32, #tpu.memory_space<hbm>> -> memref<128x128xf32, #tpu.memory_space<hbm>>
        %dma_start3A_210 = arith.constant 0 : i32
        %dma_start3A_211 = tpu.memref_slice %arg5[%add3A_207, %dma_start3A_210] : memref<262144x128xf32, #tpu.memory_space<hbm>> -> memref<128x128xf32, #tpu.memory_space<hbm>>
        tpu.enqueue_dma source(%arg9 : memref<128x128xf32, #tpu.memory_space<vmem>>) target(%dma_start3A_211 : memref<128x128xf32, #tpu.memory_space<hbm>>) target_semaphore(%arg21 : memref<!tpu.dma_semaphore, #tpu.memory_space<semaphore_mem>>)
      } else {
      }
      %mul3A_163 = arith.constant 4 : i32
      %mul3A_164 = arith.muli %mul3A_163, %scan3A_71 : i32
      %add3A_165 = arith.constant 3 : i32
      %add3A_166 = arith.addi %mul3A_164, %add3A_165 : i32
      %add3A_167 = arith.constant 2 : i32
      %add3A_168 = arith.addi %add3A_166, %add3A_167 : i32
      %lt3A_169 = arith.constant 64 : i32
      %lt3A_170 = arith.cmpi slt, %add3A_168, %lt3A_169 : i32
      %convert_element_type3A_171 = arith.extui %lt3A_170 : i1 to i32
      %cond3A_172 = arith.constant 0 : i32
      %cond3A_173 = arith.cmpi ne, %convert_element_type3A_171, %cond3A_172 : i32
      scf.if %cond3A_173 {
        %add3A_194 = arith.constant 2 : i32
        %add3A_195 = arith.addi %add3A_166, %add3A_194 : i32
        %ge3A_196 = arith.constant 4 : i32
        %ge3A_197 = arith.cmpi sge, %add3A_195, %ge3A_196 : i32
        %convert_element_type3A_198 = arith.extui %ge3A_197 : i1 to i32
        %cond3A_199 = arith.constant 0 : i32
        %cond3A_200 = arith.cmpi ne, %convert_element_type3A_198, %cond3A_199 : i32
        scf.if %cond3A_200 {
          %add3A_212 = arith.constant 2 : i32
          %add3A_213 = arith.addi %add3A_166, %add3A_212 : i32
          %sub3A = arith.constant 4 : i32
          %sub3A_214 = arith.subi %add3A_213, %sub3A : i32
          %mul3A_215 = arith.constant 8192 : i32
          %mul3A_216 = arith.muli %add3A, %mul3A_215 : i32
          %mul3A_217 = arith.constant 128 : i32
          %mul3A_218 = arith.muli %sub3A_214, %mul3A_217 : i32
          %add3A_219 = arith.addi %mul3A_216, %mul3A_218 : i32
          %dma_wait3A_220 = arith.constant 0 : i32
          %dma_wait3A_221 = tpu.memref_slice %arg5[%add3A_219, %dma_wait3A_220] : memref<262144x128xf32, #tpu.memory_space<hbm>> -> memref<128x128xf32, #tpu.memory_space<hbm>>
          %dma_wait3A_222 = arith.constant 0 : i32
          %dma_wait3A_223 = tpu.memref_slice %arg5[%add3A_219, %dma_wait3A_222] : memref<262144x128xf32, #tpu.memory_space<hbm>> -> memref<128x128xf32, #tpu.memory_space<hbm>>
          tpu.wait_dma2 semaphore(%arg21 : memref<!tpu.dma_semaphore, #tpu.memory_space<semaphore_mem>>) src(%arg9 : memref<128x128xf32, #tpu.memory_space<vmem>>) dst(%dma_wait3A_223 : memref<128x128xf32, #tpu.memory_space<hbm>>)
        } else {
        }
        %add3A_201 = arith.constant 2 : i32
        %add3A_202 = arith.addi %add3A_166, %add3A_201 : i32
        %mul3A_203 = arith.constant 8192 : i32
        %mul3A_204 = arith.muli %add3A, %mul3A_203 : i32
        %mul3A_205 = arith.constant 128 : i32
        %mul3A_206 = arith.muli %add3A_202, %mul3A_205 : i32
        %add3A_207 = arith.addi %mul3A_204, %mul3A_206 : i32
        %dma_start3A_208 = arith.constant 0 : i32
        %dma_start3A_209 = tpu.memref_slice %arg2[%add3A_207, %dma_start3A_208] : memref<262144x128xf32, #tpu.memory_space<hbm>> -> memref<128x128xf32, #tpu.memory_space<hbm>>
        %dma_start3A_210 = arith.constant 0 : i32
        %dma_start3A_211 = tpu.memref_slice %arg2[%add3A_207, %dma_start3A_210] : memref<262144x128xf32, #tpu.memory_space<hbm>> -> memref<128x128xf32, #tpu.memory_space<hbm>>
        tpu.enqueue_dma source(%dma_start3A_211 : memref<128x128xf32, #tpu.memory_space<hbm>>) target(%arg9 : memref<128x128xf32, #tpu.memory_space<vmem>>) target_semaphore(%arg13 : memref<!tpu.dma_semaphore, #tpu.memory_space<semaphore_mem>>)
      } else {
      }
      %mul3A_174 = arith.constant 8192 : i32
      %mul3A_175 = arith.muli %add3A, %mul3A_174 : i32
      %mul3A_176 = arith.constant 128 : i32
      %mul3A_177 = arith.muli %add3A_166, %mul3A_176 : i32
      %add3A_178 = arith.addi %mul3A_175, %mul3A_177 : i32
      %dma_wait3A_179 = arith.constant 0 : i32
      %dma_wait3A_180 = tpu.memref_slice %arg2[%add3A_178, %dma_wait3A_179] : memref<262144x128xf32, #tpu.memory_space<hbm>> -> memref<128x128xf32, #tpu.memory_space<hbm>>
      %dma_wait3A_181 = arith.constant 0 : i32
      %dma_wait3A_182 = tpu.memref_slice %arg2[%add3A_178, %dma_wait3A_181] : memref<262144x128xf32, #tpu.memory_space<hbm>> -> memref<128x128xf32, #tpu.memory_space<hbm>>
      tpu.wait_dma2 semaphore(%arg15 : memref<!tpu.dma_semaphore, #tpu.memory_space<semaphore_mem>>) src(%dma_wait3A_182 : memref<128x128xf32, #tpu.memory_space<hbm>>) dst(%arg11 : memref<128x128xf32, #tpu.memory_space<vmem>>)
      %dma_start3A_183 = arith.constant 0 : i32
      %dma_start3A_184 = tpu.memref_slice %arg7[%add3A_166, %dma_start3A_183] : memref<64x128xi32, #tpu.memory_space<vmem>> -> memref<1x128xi32, #tpu.memory_space<vmem>>
      %dma_start3A_185 = tpu.memref_squeeze %dma_start3A_184 : memref<1x128xi32, #tpu.memory_space<vmem>> -> memref<128xi32, #tpu.memory_space<vmem>>
      %dma_start3A_186 = arith.constant 0 : i32
      %dma_start3A_187 = arith.constant 0 : i32
      %dma_start3A_188 = tpu.memref_slice %arg6[%dma_start3A_186, %dma_start3A_187] : memref<100x128xf32, #tpu.memory_space<vmem_shared>> -> memref<100x128xf32, #tpu.memory_space<vmem_shared>>
      tpu.enqueue_indirect_dma source(%dma_start3A_188 : memref<100x128xf32, #tpu.memory_space<vmem_shared>>) target(%arg11 : memref<128x128xf32, #tpu.memory_space<vmem>>) offsets(%dma_start3A_185 : memref<128xi32, #tpu.memory_space<vmem>>) semaphore(%arg19 : memref<!tpu.dma_semaphore, #tpu.memory_space<semaphore_mem>>) {add = true}
      %ge3A_189 = arith.constant 1 : i32
      %ge3A_190 = arith.cmpi sge, %add3A_166, %ge3A_189 : i32
      %convert_element_type3A_191 = arith.extui %ge3A_190 : i1 to i32
      %cond3A_192 = arith.constant 0 : i32
      %cond3A_193 = arith.cmpi ne, %convert_element_type3A_191, %cond3A_192 : i32
      scf.if %cond3A_193 {
        %sub3A = arith.constant 1 : i32
        %sub3A_194 = arith.subi %add3A_166, %sub3A : i32
        %dma_wait3A_195 = arith.constant 0 : i32
        %dma_wait3A_196 = tpu.memref_slice %arg7[%sub3A_194, %dma_wait3A_195] : memref<64x128xi32, #tpu.memory_space<vmem>> -> memref<1x128xi32, #tpu.memory_space<vmem>>
        %dma_wait3A_197 = tpu.memref_squeeze %dma_wait3A_196 : memref<1x128xi32, #tpu.memory_space<vmem>> -> memref<128xi32, #tpu.memory_space<vmem>>
        %dma_wait3A_198 = arith.constant 0 : i32
        %dma_wait3A_199 = arith.constant 0 : i32
        %dma_wait3A_200 = tpu.memref_slice %arg6[%dma_wait3A_198, %dma_wait3A_199] : memref<100x128xf32, #tpu.memory_space<vmem_shared>> -> memref<100x128xf32, #tpu.memory_space<vmem_shared>>
        tpu.wait_indirect_dma semaphore(%arg18 : memref<!tpu.dma_semaphore, #tpu.memory_space<semaphore_mem>>) src(%dma_wait3A_200 : memref<100x128xf32, #tpu.memory_space<vmem_shared>>) dst(%arg10 : memref<128x128xf32, #tpu.memory_space<vmem>>)
        %sub3A_201 = arith.constant 1 : i32
        %sub3A_202 = arith.subi %add3A_166, %sub3A_201 : i32
        %mul3A_203 = arith.constant 8192 : i32
        %mul3A_204 = arith.muli %add3A, %mul3A_203 : i32
        %mul3A_205 = arith.constant 128 : i32
        %mul3A_206 = arith.muli %sub3A_202, %mul3A_205 : i32
        %add3A_207 = arith.addi %mul3A_204, %mul3A_206 : i32
        %dma_start3A_208 = arith.constant 0 : i32
        %dma_start3A_209 = tpu.memref_slice %arg5[%add3A_207, %dma_start3A_208] : memref<262144x128xf32, #tpu.memory_space<hbm>> -> memref<128x128xf32, #tpu.memory_space<hbm>>
        %dma_start3A_210 = arith.constant 0 : i32
        %dma_start3A_211 = tpu.memref_slice %arg5[%add3A_207, %dma_start3A_210] : memref<262144x128xf32, #tpu.memory_space<hbm>> -> memref<128x128xf32, #tpu.memory_space<hbm>>
        tpu.enqueue_dma source(%arg10 : memref<128x128xf32, #tpu.memory_space<vmem>>) target(%dma_start3A_211 : memref<128x128xf32, #tpu.memory_space<hbm>>) target_semaphore(%arg22 : memref<!tpu.dma_semaphore, #tpu.memory_space<semaphore_mem>>)
      } else {
      }
    }
    %scan3A_24 = arith.constant 16 : i32
    %dma_wait3A = arith.constant 63 : i32
    %dma_wait3A_25 = arith.constant 0 : i32
    %dma_wait3A_26 = tpu.memref_slice %arg7[%dma_wait3A, %dma_wait3A_25] : memref<64x128xi32, #tpu.memory_space<vmem>> -> memref<1x128xi32, #tpu.memory_space<vmem>>
    %dma_wait3A_27 = tpu.memref_squeeze %dma_wait3A_26 : memref<1x128xi32, #tpu.memory_space<vmem>> -> memref<128xi32, #tpu.memory_space<vmem>>
    %dma_wait3A_28 = arith.constant 0 : i32
    %dma_wait3A_29 = arith.constant 0 : i32
    %dma_wait3A_30 = tpu.memref_slice %arg6[%dma_wait3A_28, %dma_wait3A_29] : memref<100x128xf32, #tpu.memory_space<vmem_shared>> -> memref<100x128xf32, #tpu.memory_space<vmem_shared>>
    tpu.wait_indirect_dma semaphore(%arg19 : memref<!tpu.dma_semaphore, #tpu.memory_space<semaphore_mem>>) src(%dma_wait3A_30 : memref<100x128xf32, #tpu.memory_space<vmem_shared>>) dst(%arg11 : memref<128x128xf32, #tpu.memory_space<vmem>>)
    %mul3A_31 = arith.constant 8192 : i32
    %mul3A_32 = arith.muli %add3A, %mul3A_31 : i32
    %add3A_33 = arith.constant 8064 : i32
    %add3A_34 = arith.addi %mul3A_32, %add3A_33 : i32
    %dma_start3A_35 = arith.constant 0 : i32
    %dma_start3A_36 = tpu.memref_slice %arg5[%add3A_34, %dma_start3A_35] : memref<262144x128xf32, #tpu.memory_space<hbm>> -> memref<128x128xf32, #tpu.memory_space<hbm>>
    %dma_start3A_37 = arith.constant 0 : i32
    %dma_start3A_38 = tpu.memref_slice %arg5[%add3A_34, %dma_start3A_37] : memref<262144x128xf32, #tpu.memory_space<hbm>> -> memref<128x128xf32, #tpu.memory_space<hbm>>
    tpu.enqueue_dma source(%arg11 : memref<128x128xf32, #tpu.memory_space<vmem>>) target(%dma_start3A_38 : memref<128x128xf32, #tpu.memory_space<hbm>>) target_semaphore(%arg23 : memref<!tpu.dma_semaphore, #tpu.memory_space<semaphore_mem>>)
    %mul3A_39 = arith.constant 8192 : i32
    %mul3A_40 = arith.muli %add3A, %mul3A_39 : i32
    %add3A_41 = arith.constant 7680 : i32
    %add3A_42 = arith.addi %mul3A_40, %add3A_41 : i32
    %dma_wait3A_43 = arith.constant 0 : i32
    %dma_wait3A_44 = tpu.memref_slice %arg5[%add3A_42, %dma_wait3A_43] : memref<262144x128xf32, #tpu.memory_space<hbm>> -> memref<128x128xf32, #tpu.memory_space<hbm>>
    %dma_wait3A_45 = arith.constant 0 : i32
    %dma_wait3A_46 = tpu.memref_slice %arg5[%add3A_42, %dma_wait3A_45] : memref<262144x128xf32, #tpu.memory_space<hbm>> -> memref<128x128xf32, #tpu.memory_space<hbm>>
    tpu.wait_dma2 semaphore(%arg20 : memref<!tpu.dma_semaphore, #tpu.memory_space<semaphore_mem>>) src(%arg8 : memref<128x128xf32, #tpu.memory_space<vmem>>) dst(%dma_wait3A_46 : memref<128x128xf32, #tpu.memory_space<hbm>>)
    %mul3A_47 = arith.constant 8192 : i32
    %mul3A_48 = arith.muli %add3A, %mul3A_47 : i32
    %add3A_49 = arith.constant 7808 : i32
    %add3A_50 = arith.addi %mul3A_48, %add3A_49 : i32
    %dma_wait3A_51 = arith.constant 0 : i32
    %dma_wait3A_52 = tpu.memref_slice %arg5[%add3A_50, %dma_wait3A_51] : memref<262144x128xf32, #tpu.memory_space<hbm>> -> memref<128x128xf32, #tpu.memory_space<hbm>>
    %dma_wait3A_53 = arith.constant 0 : i32
    %dma_wait3A_54 = tpu.memref_slice %arg5[%add3A_50, %dma_wait3A_53] : memref<262144x128xf32, #tpu.memory_space<hbm>> -> memref<128x128xf32, #tpu.memory_space<hbm>>
    tpu.wait_dma2 semaphore(%arg21 : memref<!tpu.dma_semaphore, #tpu.memory_space<semaphore_mem>>) src(%arg9 : memref<128x128xf32, #tpu.memory_space<vmem>>) dst(%dma_wait3A_54 : memref<128x128xf32, #tpu.memory_space<hbm>>)
    %mul3A_55 = arith.constant 8192 : i32
    %mul3A_56 = arith.muli %add3A, %mul3A_55 : i32
    %add3A_57 = arith.constant 7936 : i32
    %add3A_58 = arith.addi %mul3A_56, %add3A_57 : i32
    %dma_wait3A_59 = arith.constant 0 : i32
    %dma_wait3A_60 = tpu.memref_slice %arg5[%add3A_58, %dma_wait3A_59] : memref<262144x128xf32, #tpu.memory_space<hbm>> -> memref<128x128xf32, #tpu.memory_space<hbm>>
    %dma_wait3A_61 = arith.constant 0 : i32
    %dma_wait3A_62 = tpu.memref_slice %arg5[%add3A_58, %dma_wait3A_61] : memref<262144x128xf32, #tpu.memory_space<hbm>> -> memref<128x128xf32, #tpu.memory_space<hbm>>
    tpu.wait_dma2 semaphore(%arg22 : memref<!tpu.dma_semaphore, #tpu.memory_space<semaphore_mem>>) src(%arg10 : memref<128x128xf32, #tpu.memory_space<vmem>>) dst(%dma_wait3A_62 : memref<128x128xf32, #tpu.memory_space<hbm>>)
    %mul3A_63 = arith.constant 8192 : i32
    %mul3A_64 = arith.muli %add3A, %mul3A_63 : i32
    %add3A_65 = arith.constant 8064 : i32
    %add3A_66 = arith.addi %mul3A_64, %add3A_65 : i32
    %dma_wait3A_67 = arith.constant 0 : i32
    %dma_wait3A_68 = tpu.memref_slice %arg5[%add3A_66, %dma_wait3A_67] : memref<262144x128xf32, #tpu.memory_space<hbm>> -> memref<128x128xf32, #tpu.memory_space<hbm>>
    %dma_wait3A_69 = arith.constant 0 : i32
    %dma_wait3A_70 = tpu.memref_slice %arg5[%add3A_66, %dma_wait3A_69] : memref<262144x128xf32, #tpu.memory_space<hbm>> -> memref<128x128xf32, #tpu.memory_space<hbm>>
    tpu.wait_dma2 semaphore(%arg23 : memref<!tpu.dma_semaphore, #tpu.memory_space<semaphore_mem>>) src(%arg11 : memref<128x128xf32, #tpu.memory_space<vmem>>) dst(%dma_wait3A_70 : memref<128x128xf32, #tpu.memory_space<hbm>>)
    return
  }
}

</mosaic_0001>

<sc_bundles>
// kernel: _run.3.cloned.1.call-start
scs
__scs_entry_jumppad:
0x0: {  	(pc) =	sbr.rel $0x88, $3  }
0x1: {  	(tag) =	ssettag $0x0;
	lr =	simm.s32 $0x1  }
0x2: {  	[smem:$0x3F9E] =	sst lr;
	_ =	strace $0xD0000000  }
0x3: {  	_ = 	snop  }
0x4: {  	_ = 	snop  }
0x5: {  	_ = 	snop  }
0x6: {  	_ = 	snop  }
0x7: {  	_ = 	snop  }
__scs_overlays_trampoline_lowered:
0x8: {  	[smem:$0x3FAD] =	sst s0  }
0x9: {  	[smem:$0x3FAE] =	sst s1  }
0xa: {  	[smem:$0x3FAF] =	sst s2  }
0xb: {  	[smem:$0x3FB0] =	sst s3  }
0xc: {  	[smem:$0x3FB1] =	sst s4  }
0xd: {  	[smem:$0x3FB2] =	sst s5  }
0xe: {  	[smem:$0x3FB3] =	sst s6  }
0xf: {  	[smem:$0x3FB4] =	sst s7  }
0x10: {  	[smem:$0x3FB5] =	sst s8  }
0x11: {  	[smem:$0x3FB6] =	sst s9;
	s0 =	simm.s32 @!p0 $0x0  }
0x12: {  	s1 =	sld [smem:$0x3F9C];
	s0 =	simm.s32 @p0 $0x1  }
0x13: {  	[smem:$0x3FB7] =	sst s0;
	s0 =	simm.s32 @!p1 $0x0  }
0x14: {  	s2 =	sld [smem:$0x3F9B];
	s0 =	simm.s32 @p1 $0x1  }
0x15: {  	[smem:$0x3FB8] =	sst s0;
	s0 =	simm.s32 @!p2 $0x0  }
0x16: {  	s3 =	sld [smem:$0x3FDB];
	s0 =	simm.s32 @p2 $0x1  }
0x17: {  	s4 =	simm.s32 $0x1BF5;
	[smem:$0x3FBA] =	sst s0  }
0x18: {  	s0 =	sld [smem:$0x3F9D];
	_ =	swait.ge [sflag:s4], $0x0  }
0x19: {  	s7 =	sld [smem:$0x3F9E]  }
0x1a: {  	s8 =	sadd.s32 $0xFFFFE003, lr  }
0x1b: {  	s9 =	sadd.s32 $0xFFFFFEF7, lr;
	s5 =	simm.s32 $0xFFFFFFFF;
	p2 =	slt.u32 s8, $0xFFFFF086  }
0x1c: {  	p1 =	slt.u32 s9, $0xF7A;
	s5 =	simm.s32 @!p2 $0x0  }
0x1d: {  	s5 =	simm.s32 @p1 $0x1;
	p0 =	seq.s32 s7, s2  }
0x1e: {  	s7 =	smul.u32 @!p0 $0xF7A, s2;
	p2 =	seq.s32 @!p0 s5, $0x0  }
0x1f: {  	s9 =	smul.u32 $0xF7A, s1;
	s8 =	simm.s32 @!p0 $0x1BF5;
	p2 =	por !p2, p0  }
0x20: {  	[sflag:s8] =	ssyncset.s32 @!p0 $0xFFFFF086;
	s6 =	sadd.s32 @!p0 s3, s7;
	s7 =	simm.s32 @!p0 $0x108  }
0x21: {  	s3 =	sadd.s32 s3, s9;
	s6 =	sadd.s32 @!p0 $0x88, s6;
	s7 =	simm.s32 @p2 $0x1082  }
0x22: {  	[simem:s7], [sflag:s8] =	dma.local @!p0 [hbm:s6], $0xF7A  }
0x23: {  	s9 =	sor.u32 $0xD0000000, s2;
	s6 =	simm.s32 $0x108;
	_ =	swait.ge @!p0 [sflag:s8], $0x0  }
0x24: {  	s3 =	sadd.s32 $0x88, s3;
	s6 =	simm.s32 @!p1 $0x1082;
	[sflag:s4] =	ssyncset.s32 $0xFFFFF086  }
0x25: {  	[simem:s6], [sflag:s4] =	dma.local [hbm:s3], $0xF7A  }
0x26: {  	[smem:$0x3F9E] =	sst s1;
	(tag) =	ssettag s2;
	_ =	strace s9  }
0x27: {  	s1 =	sld [smem:$0x3FAE]  }
0x28: {  	s2 =	sld [smem:$0x3FAF]  }
0x29: {  	s4 =	sld [smem:$0x3FB1]  }
0x2a: {  	p0 =	seq.s32 s5, $0x0;
	s5 =	sld [smem:$0x3FB2]  }
0x2b: {  	s6 =	sld [smem:$0x3FB3]  }
0x2c: {  	s7 =	sld [smem:$0x3FB4]  }
0x2d: {  	s3 =	simm.s32 $0x108;
	s8 =	sld [smem:$0x3FB5]  }
0x2e: {  	s3 =	simm.s32 @!p0 $0x1082;
	s9 =	sld [smem:$0x3FB6]  }
0x2f: {  	lr =	sadd.s32 s0, s3;
	s0 =	sld [smem:$0x3FAD]  }
0x30: {  	s3 =	sld [smem:$0x3FB0]  }
0x31: {  	[smem:$0x3FB9] =	sst s10  }
0x32: {  	s10 =	sld [smem:$0x3FB7];
	_ =	sdelay $0x3  }
0x33: {  	p0 =	seq.s32 s10, $0x1;
	s10 =	sld [smem:$0x3FB9];
	_ =	sdelay $0x3  }
0x34: {  	[smem:$0x3FB9] =	sst s10  }
0x35: {  	s10 =	sld [smem:$0x3FB8];
	_ =	sdelay $0x3  }
0x36: {  	p1 =	seq.s32 s10, $0x1;
	s10 =	sld [smem:$0x3FB9];
	_ =	sdelay $0x3  }
0x37: {  	[smem:$0x3FB9] =	sst s10  }
0x38: {  	s10 =	sld [smem:$0x3FBA]  }
0x39: {  	_ = 	snop;
	(pc) =	sbr.ind lr, $3  }
0x3a: {  	_ = 	snop  }
0x3b: {  	_ = 	snop  }
0x3c: {  	p2 =	seq.s32 s10, $0x1;
	s10 =	sld [smem:$0x3FB9]  }
0x3d: {  	_ =	shalt  }
0x3e: {  	_ =	shalt  }
0x3f: {  	_ =	shalt  }
0x40: {  	_ =	shalt  }
0x41: {  	_ =	shalt  }
0x42: {  	_ =	shalt  }
0x43: {  	_ =	shalt  }
0x44: {  	_ =	shalt  }
0x45: {  	_ =	shalt  }
0x46: {  	_ =	shalt  }
0x47: {  	_ =	shalt  }
0x48: {  	_ =	shalt  }
0x49: {  	_ =	shalt  }
0x4a: {  	_ =	shalt  }
0x4b: {  	_ =	shalt  }
0x4c: {  	_ =	shalt  }
0x4d: {  	_ =	shalt  }
0x4e: {  	_ =	shalt  }
0x4f: {  	_ =	shalt  }
0x50: {  	_ =	shalt  }
0x51: {  	_ =	shalt  }
0x52: {  	_ =	shalt  }
0x53: {  	_ =	shalt  }
0x54: {  	_ =	shalt  }
0x55: {  	_ =	shalt  }
0x56: {  	_ =	shalt  }
0x57: {  	_ =	shalt  }
0x58: {  	_ =	shalt  }
0x59: {  	_ =	shalt  }
0x5a: {  	_ =	shalt  }
0x5b: {  	_ =	shalt  }
0x5c: {  	_ =	shalt  }
0x5d: {  	_ =	shalt  }
0x5e: {  	_ =	shalt  }
0x5f: {  	_ =	shalt  }
0x60: {  	_ =	shalt  }
0x61: {  	_ =	shalt  }
0x62: {  	_ =	shalt  }
0x63: {  	_ =	shalt  }
0x64: {  	_ =	shalt  }
0x65: {  	_ =	shalt  }
0x66: {  	_ =	shalt  }
0x67: {  	_ =	shalt  }
0x68: {  	_ =	shalt  }
0x69: {  	_ =	shalt  }
0x6a: {  	_ =	shalt  }
0x6b: {  	_ =	shalt  }
0x6c: {  	_ =	shalt  }
0x6d: {  	_ =	shalt  }
0x6e: {  	_ =	shalt  }
0x6f: {  	_ =	shalt  }
0x70: {  	_ =	shalt  }
0x71: {  	_ =	shalt  }
0x72: {  	_ =	shalt  }
0x73: {  	_ =	shalt  }
0x74: {  	_ =	shalt  }
0x75: {  	_ =	shalt  }
0x76: {  	_ =	shalt  }
0x77: {  	_ =	shalt  }
0x78: {  	_ =	shalt  }
0x79: {  	_ =	shalt  }
0x7a: {  	_ =	shalt  }
0x7b: {  	_ =	shalt  }
0x7c: {  	_ =	shalt  }
0x7d: {  	_ =	shalt  }
0x7e: {  	_ =	shalt  }
0x7f: {  	_ =	shalt  }
0x80: {  	_ =	shalt  }
0x81: {  	_ =	shalt  }
0x82: {  	_ =	shalt  }
0x83: {  	_ =	shalt  }
0x84: {  	_ =	shalt  }
0x85: {  	_ =	shalt  }
0x86: {  	_ =	shalt  }
0x87: {  	_ =	shalt  }
.Lfunc_end0:
.L_simem_size_0:
called_computation_lowered:
.L_overlay_start_0:
0x88: {  	s2 =	sld [smem:$0x3FD9]  }
0x89: {  	s3 =	sld [smem:$0x3FFE];
	_ =	sdelay $0x1  }
0x8a: {  	s1 =	srdreg.scid  }
0x8b: {  	s0 =	sand.u32 $0x1, s1  }
0x8c: {  	s18 =	sshll.u32 s0, $0xA;
	s2 =	sadd.s32 s3, s2  }
0x8d: {  	s2 =	sadd.s32 s2, s18  }
0x8e: {  	[smem:$0x3FC5] =	sst s2  }
0x8f: {  	_ = 	snop  }
0x90: {  	s2 =	sld [smem:$0x3FC9]  }
0x91: {  	s19 =	sld [smem:$0x3FC8]  }
0x92: {  	s4 =	sld [smem:$0x3FC7]  }
0x93: {  	s5 =	sld [smem:$0x3FD0];
	(tm) =	ssettm $0x1  }
0x94: {  	s6 =	sld [smem:$0x3FFB];
	_ =	sdelay $0x3  }
0x95: {  	_ =	strace s6  }
0x96: {  	s6 =	sld [smem:$0x3FFC];
	_ =	sdelay $0x3  }
0x97: {  	_ =	strace s6  }
0x98: {  	s6 =	sld [smem:$0x3FFD];
	_ =	sdelay $0x3  }
0x99: {  	_ =	strace s6  }
0x9a: {  	_ =	strace $0x8FFFFFFF  }
0x9b: {  	s20 =	sld [smem:$0x3FDB];
	_ =	sdelay $0x1  }
0x9c: {  	s7 =	simm.s32 $_scs_section_size  }
0x9d: {  	s8 =	simm.s32 $_size__tile_overlayer_lowered;
	s9 =	simm.s32 $_tile_overlayer_lowered  }
0x9e: {  	s23 =	simm.s32 $0x1BFF;
	s22 =	sshll.u32 s9, $0x1;
	s6 =	sadd.s32 s7, s20  }
0x9f: {  	s10 =	simm.s32 $0x0;
	s21 =	sshll.u32 s8, $0x1;
	s8 =	sadd.s32 s22, s6  }
0xa0: {  	[timem:s10], [sflag:s23] =	dma.local [hbm:s8], s21  }
0xa1: {  	_ =	swait.ge [sflag:s23], s21  }
0xa2: {  	s7 =	ssub.s32 $0x0, s21;
	[sflag:s23] =	ssyncset.done $0x0  }
0xa3: {  	[sflag:s23] =	ssyncadd.s32 s7;
	_ =	sdelay $0x1  }
0xa4: {  	s24 =	simm.s32 $0x1B8B  }
0xa5: {  	_ =	swait.ge [sflag:s24], $0x1  }
0xa6: {  	[sflag:s24] =	ssyncset.done $0x0  }
0xa7: {  	s25 =	simm.s32 $0x1B8E;
	[sflag:s24] =	ssyncadd.s32 $0xFFFFFFFF  }
0xa8: {  	s26 =	simm.s32 $execute0_lowered;
	[smem:$0x3FD2] =	sst s25  }
0xa9: {  	s7 =	sshll.u32 s26, $0x1;
	_ =	strace $0x80000046;
	[dreg:$0x1] =	wrdreg $0xFFFFFFFF  }
0xaa: {  	s28 =	simm.s32 $_size_execute0_lowered;
	s6 =	sadd.s32 s6, s7;
	[dreg:$0x0] =	wrdreg $0x0  }
0xab: {  	s7 =	sshll.u32 s28, $0x1;
	[dreg:$0x2] =	wrdreg s6  }
0xac: {  	[dreg:$0x3] =	wrdreg s7  }
0xad: {  	[dreg:$0x4] =	wrdreg $0xC0  }
0xae: {  	_ =	task [dreg:s10], $0x5FFFF  }
0xaf: {  	[dreg:$0x1] =	wrdreg $0xFFFFFFFF  }
0xb0: {  	[dreg:$0x0] =	wrdreg $0x60  }
0xb1: {  	[dreg:$0x2] =	wrdreg s2  }
0xb2: {  	[dreg:$0x3] =	wrdreg s19  }
0xb3: {  	[dreg:$0x4] =	wrdreg s4  }
0xb4: {  	[dreg:$0x5] =	wrdreg s5  }
0xb5: {  	[dreg:$0x6] =	wrdreg $0x0  }
0xb6: {  	[dreg:$0x7] =	wrdreg $0x9  }
0xb7: {  	_ =	task.clear_ibuf [dreg:s10], $0x8FFFF;
	_ =	strace $0x90000046  }
0xb8: {  	s29 =	simm.s32 $0x9;
	_ =	strace $0x80000048  }
0xb9: {  	_ =	swait.ge [sflag:s29], $0x1  }
0xba: {  	[sflag:s29] =	ssyncadd.s32 $0xFFFFFFFF  }
0xbb: {  	_ =	strace $0x90000048  }
0xbc: {  	_ =	sfence  }
0xbd: {  	s30 =	sld [smem:$0x0];
	_ =	sdelay $0x2  }
0xbe: {  	s31 =	sshll.u32 s1, $0xD;
	s1 =	sshrl.u32 s1, $0x2  }
0xbf: {  	s3 =	sand.u32 $0x4000, s31;
	s1 =	sadd.s32 s1, s30  }
0xc0: {  	s0 =	sor.u32 s3, s0;
	s1 =	sshll.u32 s1, $0x11  }
0xc1: {  	s0 =	sor.u32 s1, s0  }
0xc2: {  	s0 =	sadd.s32 $0x8F2B, s0  }
0xc3: {  	[sflag:s0] =	ssyncadd.remote.s32 $0x1  }
0xc4: {  	_ =	sfence.sel $0xFFFF  }
0xc5: {  	[dreg:$0x0] =	wrdreg $0xFFFFFFFF;
	(pc) =	sbr.abs _section_cstart, $3  }
0xc6: {  	[dreg:$0x1] =	wrdreg $0xFFFFFFFF  }
0xc7: {  	_ =	task.clear_ibuf [dreg:s10], $0x2FFFF;
	_ =	strace $0x9FFFFFFF  }
0xc8: {  	(tm) =	ssettm $0x7FFFFFFF  }
0xc9: {  	_ =	shalt  }
tec
execute0_lowered:
.L_overlay_start_1:
0x0: {  	(tag) =	ssettag $0x1  }
0x1: {  	s0 =	rddreg [dreg:$0x0]  }
0x2: {  	s1 =	rddreg [dreg:$0x1]  }
0x3: {  	s5 =	rddreg [dreg:$0x3]  }
0x4: {  	s2 =	rddreg [dreg:$0x4]  }
0x5: {  	s4 =	srdreg.scid;
	s6 =	stileid.u32;
	s3 =	simm.s32 $0x0  }
0x6: {  	s14 =	simm.s32 $0x2320;
	s15 =	simm.s32 $0x6320;
	s16 =	simm.s32 $0xA320  }
0x7: {  	s17 =	simm.s32 $0x1;
	s18 =	simm.s32 $0x80;
	s19 =	simm.s32 $0x3  }
0x8: {  	s20 =	simm.s32 $0xE320;
	s29 =	simm.s32 $0xA;
	s30 =	simm.s32 $0xB  }
0x9: {  	s31 =	simm.s32 $0xC;
	s8 =	sand.u32 $0x1, s4;
	s21 =	sshll.u32 s6, $0x1  }
0xa: {  	[smem:$0x7FF] =	sst s3;
	s25 =	sshll.u32 s6, $0x12;
	p0 =	sne.s32 s6, $0x0  }
0xb: {  	s7 =	ssub.s32 $0x2, s8;
	s4 =	sor.u32 s8, s21;
	_ =	strace $0x80000047  }
0xc: {  	s8 =	sshll.u32 s8, $0x11;
	s21 =	simm.s32 $0x2;
	s9 =	sshrl.u32 s7, $0x1  }
0xd: {  	s10 =	sshll.u32 s4, $0x11;
	s22 =	sshll.u32 s4, $0xA;
	s9 =	ssub.s32 s7, s9  }
0xe: {  	s4 =	sadd.s32 s0, s10;
	s1 =	sadd.s32 s1, s22;
	s7 =	sadd.s32 s5, s10  }
0xf: {  	s0 =	sadd.s32 s25, s0;
	[dreg:$0x9] =	wrdreg s1;
	s23 =	sadd.s32 $0x800, s4  }
0x10: {  	s22 =	simm.s32 $0x5;
	s24 =	sadd.s32 $0x2000, s4;
	[dreg:$0xa] =	wrdreg s23  }
0x11: {  	s26 =	sadd.s32 $0x2800, s4;
	s28 =	sadd.s32 $0x1F800, s7;
	[dreg:$0x6] =	wrdreg s24  }
0x12: {  	s0 =	sadd.s32 s8, s0;
	s9 =	smax.u32 s9, $0x1;
	[dreg:$0x7] =	wrdreg s26  }
0x13: {  	s1 =	sadd.s32 s25, s5;
	s25 =	simm.s32 $0x7;
	[dreg:$0xb] =	wrdreg s28  }
0x14: {  	[dreg:$0xc] =	wrdreg s9;
	s0 =	sadd.s32 $0x1000, s0;
	s10 =	sadd.s32 s8, s1  }
0x15: {  	s23 =	simm.s32 $0x6;
	[dreg:$0x8] =	wrdreg s0;
	s0 =	sshrl.u32 @!p0 s2, $0x3  }
0x16: {  	s24 =	simm.s32 $0x4;
	[dreg:$0xd] =	wrdreg s0;
	s0 =	simm.s32 $0x0  }
.LBB2_1:
0x17: {  	s5 =	rddreg [dreg:$0x2]  }
0x18: {  	s1 =	simm.s32 @!p0 $0x1C0D;
	s6 =	rddreg [dreg:$0xd]  }
0x19: {  	[spmem:s6], [sflag:s1] =	dma.local @!p0 [hbm:s5], $0x640  }
0x1a: {  	s1 =	simm.s32 @!p0 $0xD  }
0x1b: {  	_ =	swait.ge @!p0 [sflag:s1], $0x640  }
0x1c: {  	s8 =	simm.s32 $0x320;
	[sflag:s1] =	ssyncset.done @!p0 $0x0  }
0x1d: {  	s9 =	simm.s32 $0xD;
	s6 =	rddreg [dreg:$0x9];
	[sflag:s1] =	ssyncadd.s32 @!p0 $0xFFFFF9C0  }
0x1e: {  	[tilespmem:s8], [sflag:$0xD] =	stream.linear.gather [hbm4b:s6+s3], $0x2000, $0x38;
	[tilespmem:$0x12320] =	vst v63  }
0x1f: {  	_ =	swait.ge [sflag:s9], $0x2000  }
0x20: {  	[sflag:s9] =	ssyncset.done $0x0  }
0x21: {  	[sflag:s9] =	ssyncadd.s32 $0xFFFFE000  }
0x22: {  	p1 =	por $0x1, $0x1;
	[bflag:$0x0] =	sbarrier.arrive $0xFFFF  }
0x23: {  	[tilespmem:s14], [sflag:$0x1] =	stream.linear.gather [hbm4b:s4+s3], $0x4000, $0x38;
	[tilespmem:$0x12320] =	vst v63  }
0x24: {  	s1 =	simm.s32 @!p1 $0xB;
	s11 =	rddreg [dreg:$0xa]  }
0x25: {  	[tilespmem:s15], [sflag:$0x2] =	stream.linear.gather [hbm4b:s11+s3], $0x4000, $0x38;
	[tilespmem:$0x12320] =	vst v63  }
0x26: {  	_ =	swait.ge @!p1 [sflag:s1], $0x4000  }
0x27: {  	s12 =	rddreg [dreg:$0x8];
	[sflag:s1] =	ssyncset.done @!p1 $0x0  }
0x28: {  	[sflag:s1] =	ssyncadd.s32 @!p1 $0xFFFFC000;
	s13 =	sadd.s32 $0x0, s12  }
0x29: {  	[tilespmem:s16], [sflag:$0x3] =	stream.linear.gather [hbm4b:s13+s3], $0x4000, $0x38;
	[tilespmem:$0x12320] =	vst v63  }
0x2a: {  	_ =	swait.ge [sflag:s17], $0x4000  }
0x2b: {  	[sflag:s17] =	ssyncset.done $0x0  }
0x2c: {  	s26 =	simm.s32 $0x320;
	s5 =	simm.s32 @!p1 $0x8;
	[sflag:s17] =	ssyncadd.s32 $0xFFFFC000  }
0x2d: {  	[tilespmem:s14], [sflag:$0x5] =	stream.indirect.gather.add.f32 [spmem:s2], $0x80, s26, s18, $0xb8;
	[tilespmem:$0x12320] =	vst v63  }
0x2e: {  	s6 =	simm.s32 @!p1 $0xE320;
	s8 =	simm.s32 @!p1 $0x0;
	_ =	swait.ge @!p1 [sflag:s5], $0x4000  }
0x2f: {  	s9 =	simm.s32 $0x3;
	s1 =	sadd.s32 @!p1 $0x0, s10;
	[sflag:s5] =	ssyncset.done @!p1 $0x0  }
0x30: {  	s1 =	sadd.s32 @!p1 $0xFFFFF800, s1;
	[sflag:s5] =	ssyncadd.s32 @!p1 $0xFFFFC000;
	s5 =	simm.s32 @!p1 $0xC  }
0x31: {  	[hbm4b:s1+s8] =	stream.linear.scatter @!p1 [tilespmem:s6], [sflag:$0xC], $0x4000, $0x38;
	[tilespmem:$0x12320] =	vst v63  }
0x32: {  	s9 =	simm.s32 @p1 $0x3;
	_ =	swait.ge @!p1 [sflag:s5], $0x4000  }
0x33: {  	s6 =	sshll.u32 s9, $0xB;
	[sflag:s5] =	ssyncset.done @!p1 $0x0  }
0x34: {  	s1 =	sadd.s32 s6, s4;
	[sflag:s5] =	ssyncadd.s32 @!p1 $0xFFFFC000  }
0x35: {  	[tilespmem:s20], [sflag:$0x4] =	stream.linear.gather [hbm4b:s1+s3], $0x4000, $0x38;
	[tilespmem:$0x12320] =	vst v63  }
0x36: {  	_ =	swait.ge [sflag:s21], $0x4000  }
0x37: {  	[sflag:s21] =	ssyncset.done $0x0  }
0x38: {  	s8 =	simm.s32 $0x3A0;
	[sflag:s21] =	ssyncadd.s32 $0xFFFFC000  }
0x39: {  	[tilespmem:s15], [sflag:$0x6] =	stream.indirect.gather.add.f32 [spmem:s2], $0x80, s8, s18, $0xb8;
	[tilespmem:$0x12320] =	vst v63  }
0x3a: {  	s1 =	simm.s32 $0x0;
	_ =	swait.ge [sflag:s22], $0x4000  }
0x3b: {  	s1 =	simm.s32 @p1 $0x0;
	p1 =	por $0x0, $0x0;
	[sflag:s22] =	ssyncset.done $0x0  }
0x3c: {  	s11 =	sadd.s32 s1, s7;
	s6 =	simm.s32 @!p1 $0x9;
	[sflag:s22] =	ssyncadd.s32 $0xFFFFC000  }
0x3d: {  	[hbm4b:s11+s3] =	stream.linear.scatter [tilespmem:s14], [sflag:$0x9], $0x4000, $0x38;
	[tilespmem:$0x12320] =	vst v63  }
0x3e: {  	_ =	swait.ge @!p1 [sflag:s6], $0x4000  }
0x3f: {  	s8 =	simm.s32 @!p1 $0x2320;
	s5 =	rddreg [dreg:$0x6];
	[sflag:s6] =	ssyncset.done @!p1 $0x0  }
0x40: {  	[sflag:s6] =	ssyncadd.s32 @!p1 $0xFFFFC000;
	s6 =	simm.s32 @!p1 $0x0;
	s5 =	sadd.s32 @!p1 s1, s5  }
0x41: {  	[tilespmem:s8], [sflag:$0x1] =	stream.linear.gather @!p1 [hbm4b:s5+s6], $0x4000, $0x38;
	[tilespmem:$0x12320] =	vst v63  }
0x42: {  	_ =	swait.ge [sflag:s19], $0x4000  }
0x43: {  	[sflag:s19] =	ssyncset.done $0x0  }
0x44: {  	s12 =	simm.s32 $0x420;
	[sflag:s19] =	ssyncadd.s32 $0xFFFFC000  }
0x45: {  	[tilespmem:s16], [sflag:$0x7] =	stream.indirect.gather.add.f32 [spmem:s2], $0x80, s12, s18, $0xb8;
	[tilespmem:$0x12320] =	vst v63  }
0x46: {  	_ =	swait.ge [sflag:s23], $0x4000  }
0x47: {  	s5 =	sadd.s32 $0x0, s10;
	[sflag:s23] =	ssyncset.done $0x0  }
0x48: {  	s11 =	simm.s32 @!p1 $0xA;
	s13 =	sadd.s32 $0x800, s5;
	[sflag:s23] =	ssyncadd.s32 $0xFFFFC000  }
0x49: {  	[hbm4b:s13+s3] =	stream.linear.scatter [tilespmem:s15], [sflag:$0xA], $0x4000, $0x38;
	[tilespmem:$0x12320] =	vst v63  }
0x4a: {  	_ =	swait.ge @!p1 [sflag:s11], $0x4000  }
0x4b: {  	s28 =	simm.s32 $0x7;
	s8 =	rddreg [dreg:$0x7];
	[sflag:s11] =	ssyncset.done @!p1 $0x0  }
0x4c: {  	[sflag:s11] =	ssyncadd.s32 @!p1 $0xFFFFC000;
	s1 =	sadd.s32 @!p1 s1, s8;
	s8 =	simm.s32 @!p1 $0x6320  }
0x4d: {  	[tilespmem:s8], [sflag:$0x2] =	stream.linear.gather @!p1 [hbm4b:s1+s6], $0x4000, $0x38;
	[tilespmem:$0x12320] =	vst v63  }
0x4e: {  	p2 =	por $0x0, $0x0;
	s26 =	sshll.u32 s9, $0x7;
	_ =	swait.ge [sflag:s24], $0x4000  }
0x4f: {  	s12 =	simm.s32 $0x2000;
	s1 =	sand.u32 $0x3FFFFF80, s26;
	[sflag:s24] =	ssyncset.done $0x0  }
0x50: {  	s11 =	sadd.s32 $0x1000, s5;
	s1 =	sadd.s32 $0x320, s1;
	[sflag:s24] =	ssyncadd.s32 $0xFFFFC000  }
0x51: {  	[tilespmem:s20], [sflag:$0x8] =	stream.indirect.gather.add.f32 [spmem:s2], $0x80, s1, s18, $0xb8;
	[tilespmem:$0x12320] =	vst v63  }
0x52: {  	s5 =	simm.s32 $0x5A0;
	s6 =	simm.s32 $0x4000;
	_ =	swait.ge [sflag:s25], $0x4000  }
.LBB2_2:
0x53: {  	[sflag:s25] =	ssyncset.done $0x0  }
0x54: {  	s9 =	simm.s32 @!p2 $0xB;
	[sflag:s25] =	ssyncadd.s32 $0xFFFFC000  }
0x55: {  	[hbm4b:s11+s3] =	stream.linear.scatter [tilespmem:s16], [sflag:$0xB], $0x4000, $0x38;
	[tilespmem:$0x12320] =	vst v63  }
0x56: {  	_ =	swait.ge @!p2 [sflag:s9], $0x4000  }
0x57: {  	[sflag:s9] =	ssyncset.done @!p2 $0x0;
	s13 =	rddreg [dreg:$0x8]  }
0x58: {  	[sflag:s9] =	ssyncadd.s32 @!p2 $0xFFFFC000;
	s26 =	sadd.s32 s12, s13  }
0x59: {  	[tilespmem:s16], [sflag:$0x3] =	stream.linear.gather [hbm4b:s26+s3], $0x4000, $0x38;
	[tilespmem:$0x12320] =	vst v63  }
0x5a: {  	_ =	swait.ge [sflag:s17], $0x4000  }
0x5b: {  	[sflag:s17] =	ssyncset.done $0x0  }
0x5c: {  	s1 =	sadd.s32 $0xFFFFFF80, s5;
	s11 =	simm.s32 @!p2 $0x8;
	[sflag:s17] =	ssyncadd.s32 $0xFFFFC000  }
0x5d: {  	[tilespmem:s14], [sflag:$0x5] =	stream.indirect.gather.add.f32 [spmem:s2], $0x80, s1, s18, $0xb8;
	[tilespmem:$0x12320] =	vst v63  }
0x5e: {  	s9 =	sadd.s32 @!p2 s12, s10;
	s13 =	simm.s32 @!p2 $0xE320;
	_ =	swait.ge @!p2 [sflag:s11], $0x4000  }
0x5f: {  	s9 =	sadd.s32 @!p2 $0xFFFFF800, s9;
	s26 =	simm.s32 @!p2 $0x0;
	[sflag:s11] =	ssyncset.done @!p2 $0x0  }
0x60: {  	s1 =	smov.u32 s28;
	[sflag:s11] =	ssyncadd.s32 @!p2 $0xFFFFC000;
	s11 =	simm.s32 @!p2 $0xC  }
0x61: {  	[hbm4b:s9+s26] =	stream.linear.scatter @!p2 [tilespmem:s13], [sflag:$0xC], $0x4000, $0x38;
	[tilespmem:$0x12320] =	vst v63  }
0x62: {  	s1 =	simm.s32 @p2 $0x3;
	_ =	swait.ge @!p2 [sflag:s11], $0x4000  }
0x63: {  	s13 =	sshll.u32 s1, $0xB;
	[sflag:s11] =	ssyncset.done @!p2 $0x0  }
0x64: {  	s26 =	sadd.s32 s13, s4;
	[sflag:s11] =	ssyncadd.s32 @!p2 $0xFFFFC000  }
0x65: {  	[tilespmem:s20], [sflag:$0x4] =	stream.linear.gather [hbm4b:s26+s3], $0x4000, $0x38;
	[tilespmem:$0x12320] =	vst v63  }
0x66: {  	_ =	swait.ge [sflag:s21], $0x4000  }
0x67: {  	[sflag:s21] =	ssyncset.done $0x0  }
0x68: {  	s1 =	sshll.u32 s1, $0x7;
	[sflag:s21] =	ssyncadd.s32 $0xFFFFC000  }
0x69: {  	[tilespmem:s15], [sflag:$0x6] =	stream.indirect.gather.add.f32 [spmem:s2], $0x80, s5, s18, $0xb8;
	[tilespmem:$0x12320] =	vst v63  }
0x6a: {  	s9 =	sand.u32 $0x3FFFFF80, s1;
	s1 =	smov.u32 s12;
	_ =	swait.ge [sflag:s22], $0x4000  }
0x6b: {  	s1 =	simm.s32 @p2 $0x0;
	p2 =	seq.s32 s12, $0x1E000;
	[sflag:s22] =	ssyncset.done $0x0  }
0x6c: {  	s26 =	sadd.s32 s1, s7;
	s13 =	simm.s32 @!p2 $0x9;
	[sflag:s22] =	ssyncadd.s32 $0xFFFFC000  }
0x6d: {  	[hbm4b:s26+s3] =	stream.linear.scatter [tilespmem:s14], [sflag:$0x9], $0x4000, $0x38;
	[tilespmem:$0x12320] =	vst v63  }
0x6e: {  	_ =	swait.ge @!p2 [sflag:s13], $0x4000  }
0x6f: {  	s26 =	simm.s32 @!p2 $0x2320;
	[sflag:s13] =	ssyncset.done @!p2 $0x0;
	s11 =	rddreg [dreg:$0x6]  }
0x70: {  	[sflag:s13] =	ssyncadd.s32 @!p2 $0xFFFFC000;
	s13 =	simm.s32 @!p2 $0x0;
	s11 =	sadd.s32 @!p2 s1, s11  }
0x71: {  	[tilespmem:s26], [sflag:$0x1] =	stream.linear.gather @!p2 [hbm4b:s11+s13], $0x4000, $0x38;
	[tilespmem:$0x12320] =	vst v63  }
0x72: {  	_ =	swait.ge [sflag:s19], $0x4000  }
0x73: {  	[sflag:s19] =	ssyncset.done $0x0  }
0x74: {  	s26 =	sadd.s32 $0x80, s5;
	[sflag:s19] =	ssyncadd.s32 $0xFFFFC000  }
0x75: {  	[tilespmem:s16], [sflag:$0x7] =	stream.indirect.gather.add.f32 [spmem:s2], $0x80, s26, s18, $0xb8;
	[tilespmem:$0x12320] =	vst v63  }
0x76: {  	s8 =	smov.u32 s6;
	s26 =	sadd.s32 s12, s10;
	_ =	swait.ge [sflag:s23], $0x4000  }
0x77: {  	s12 =	smov.u32 s8;
	s8 =	sadd.s32 $0x800, s26;
	[sflag:s23] =	ssyncset.done $0x0  }
0x78: {  	s11 =	sadd.s32 $0x1000, s26;
	s26 =	simm.s32 @!p2 $0xA;
	[sflag:s23] =	ssyncadd.s32 $0xFFFFC000  }
0x79: {  	[hbm4b:s8+s3] =	stream.linear.scatter [tilespmem:s15], [sflag:$0xA], $0x4000, $0x38;
	[tilespmem:$0x12320] =	vst v63  }
0x7a: {  	s6 =	sadd.s32 $0x2000, s6;
	_ =	swait.ge @!p2 [sflag:s26], $0x4000  }
0x7b: {  	p1 =	sne.s32 s6, $0x20000;
	[sflag:s26] =	ssyncset.done @!p2 $0x0;
	s8 =	rddreg [dreg:$0x7]  }
0x7c: {  	[sflag:s26] =	ssyncadd.s32 @!p2 $0xFFFFC000;
	s26 =	simm.s32 @!p2 $0x6320;
	s1 =	sadd.s32 @!p2 s1, s8  }
0x7d: {  	[tilespmem:s26], [sflag:$0x2] =	stream.linear.gather @!p2 [hbm4b:s1+s13], $0x4000, $0x38;
	[tilespmem:$0x12320] =	vst v63  }
.Ltmp0:
0x7e: {  	_ =	swait.ge [sflag:s24], $0x4000;
	(pc) =	sbr.rel @p1 .LBB2_2-.Ltmp0, $4  }
0x7f: {  	[sflag:s24] =	ssyncset.done $0x0  }
0x80: {  	s28 =	sadd.s32 $0x4, s28;
	s26 =	sadd.s32 $0x320, s9;
	[sflag:s24] =	ssyncadd.s32 $0xFFFFC000  }
0x81: {  	[tilespmem:s20], [sflag:$0x8] =	stream.indirect.gather.add.f32 [spmem:s2], $0x80, s26, s18, $0xb8;
	[tilespmem:$0x12320] =	vst v63  }
0x82: {  	s5 =	sadd.s32 $0x200, s5;
	p2 =	seq.s32 s12, $0x0;
	_ =	swait.ge [sflag:s25], $0x4000  }
0x83: {  	[sflag:s25] =	ssyncset.done $0x0  }
0x84: {  	s1 =	simm.s32 @!p2 $0xB;
	[sflag:s25] =	ssyncadd.s32 $0xFFFFC000  }
0x85: {  	[hbm4b:s11+s3] =	stream.linear.scatter [tilespmem:s16], [sflag:$0xB], $0x4000, $0x38;
	[tilespmem:$0x12320] =	vst v63  }
0x86: {  	_ =	swait.ge @!p2 [sflag:s1], $0x4000  }
0x87: {  	s6 =	rddreg [dreg:$0x8];
	[sflag:s1] =	ssyncset.done @!p2 $0x0  }
0x88: {  	[sflag:s1] =	ssyncadd.s32 @!p2 $0xFFFFC000;
	s13 =	sadd.s32 s12, s6  }
0x89: {  	[tilespmem:s16], [sflag:$0x3] =	stream.linear.gather [hbm4b:s13+s3], $0x4000, $0x38;
	[tilespmem:$0x12320] =	vst v63  }
0x8a: {  	_ =	swait.ge [sflag:s17], $0x4000  }
0x8b: {  	[sflag:s17] =	ssyncset.done $0x0  }
0x8c: {  	s26 =	sadd.s32 $0xFFFFFF80, s5;
	s6 =	simm.s32 @!p2 $0x8;
	[sflag:s17] =	ssyncadd.s32 $0xFFFFC000  }
0x8d: {  	[tilespmem:s14], [sflag:$0x5] =	stream.indirect.gather.add.f32 [spmem:s2], $0x80, s26, s18, $0xb8;
	[tilespmem:$0x12320] =	vst v63  }
0x8e: {  	s8 =	simm.s32 @!p2 $0xE320;
	_ =	swait.ge @!p2 [sflag:s6], $0x4000  }
0x8f: {  	s9 =	simm.s32 @!p2 $0x0;
	s1 =	sadd.s32 @!p2 s12, s10;
	[sflag:s6] =	ssyncset.done @!p2 $0x0  }
0x90: {  	s1 =	sadd.s32 @!p2 $0xFFFFF800, s1;
	[sflag:s6] =	ssyncadd.s32 @!p2 $0xFFFFC000;
	s6 =	simm.s32 @!p2 $0xC  }
0x91: {  	[hbm4b:s1+s9] =	stream.linear.scatter @!p2 [tilespmem:s8], [sflag:$0xC], $0x4000, $0x38;
	[tilespmem:$0x12320] =	vst v63  }
0x92: {  	s28 =	simm.s32 @p2 $0x3;
	_ =	swait.ge @!p2 [sflag:s6], $0x4000  }
0x93: {  	s8 =	sshll.u32 s28, $0xB;
	[sflag:s6] =	ssyncset.done @!p2 $0x0  }
0x94: {  	s1 =	sadd.s32 s8, s4;
	[sflag:s6] =	ssyncadd.s32 @!p2 $0xFFFFC000  }
0x95: {  	[tilespmem:s20], [sflag:$0x4] =	stream.linear.gather [hbm4b:s1+s3], $0x4000, $0x38;
	[tilespmem:$0x12320] =	vst v63  }
0x96: {  	_ =	swait.ge [sflag:s21], $0x4000  }
0x97: {  	[sflag:s21] =	ssyncset.done $0x0  }
0x98: {  	[sflag:s21] =	ssyncadd.s32 $0xFFFFC000  }
0x99: {  	[tilespmem:s15], [sflag:$0x6] =	stream.indirect.gather.add.f32 [spmem:s2], $0x80, s5, s18, $0xb8;
	[tilespmem:$0x12320] =	vst v63  }
0x9a: {  	s1 =	smov.u32 s12;
	_ =	swait.ge [sflag:s22], $0x4000  }
0x9b: {  	p1 =	seq.s32 s12, $0x1E000;
	s1 =	simm.s32 @p2 $0x0;
	[sflag:s22] =	ssyncset.done $0x0  }
0x9c: {  	s8 =	simm.s32 @!p1 $0x9;
	s9 =	sadd.s32 s1, s7;
	[sflag:s22] =	ssyncadd.s32 $0xFFFFC000  }
0x9d: {  	[hbm4b:s9+s3] =	stream.linear.scatter [tilespmem:s14], [sflag:$0x9], $0x4000, $0x38;
	[tilespmem:$0x12320] =	vst v63  }
0x9e: {  	_ =	swait.ge @!p1 [sflag:s8], $0x4000  }
0x9f: {  	s9 =	simm.s32 @!p1 $0x2320;
	s6 =	rddreg [dreg:$0x6];
	[sflag:s8] =	ssyncset.done @!p1 $0x0  }
0xa0: {  	[sflag:s8] =	ssyncadd.s32 @!p1 $0xFFFFC000;
	s8 =	simm.s32 @!p1 $0x0;
	s6 =	sadd.s32 @!p1 s1, s6  }
0xa1: {  	[tilespmem:s9], [sflag:$0x1] =	stream.linear.gather @!p1 [hbm4b:s6+s8], $0x4000, $0x38;
	[tilespmem:$0x12320] =	vst v63  }
0xa2: {  	_ =	swait.ge [sflag:s19], $0x4000  }
0xa3: {  	[sflag:s19] =	ssyncset.done $0x0  }
0xa4: {  	s11 =	sadd.s32 $0x80, s5;
	[sflag:s19] =	ssyncadd.s32 $0xFFFFC000  }
0xa5: {  	[tilespmem:s16], [sflag:$0x7] =	stream.indirect.gather.add.f32 [spmem:s2], $0x80, s11, s18, $0xb8;
	[tilespmem:$0x12320] =	vst v63  }
0xa6: {  	_ =	swait.ge [sflag:s23], $0x4000  }
0xa7: {  	s13 =	sadd.s32 s12, s10;
	[sflag:s23] =	ssyncset.done $0x0  }
0xa8: {  	s26 =	sadd.s32 $0x800, s13;
	s9 =	simm.s32 @!p1 $0xA;
	[sflag:s23] =	ssyncadd.s32 $0xFFFFC000  }
0xa9: {  	[hbm4b:s26+s3] =	stream.linear.scatter [tilespmem:s15], [sflag:$0xA], $0x4000, $0x38;
	[tilespmem:$0x12320] =	vst v63  }
0xaa: {  	_ =	swait.ge @!p1 [sflag:s9], $0x4000  }
0xab: {  	s6 =	rddreg [dreg:$0x7];
	[sflag:s9] =	ssyncset.done @!p1 $0x0  }
0xac: {  	[sflag:s9] =	ssyncadd.s32 @!p1 $0xFFFFC000;
	s1 =	sadd.s32 @!p1 s1, s6;
	s6 =	simm.s32 @!p1 $0x6320  }
0xad: {  	[tilespmem:s6], [sflag:$0x2] =	stream.linear.gather @!p1 [hbm4b:s1+s8], $0x4000, $0x38;
	[tilespmem:$0x12320] =	vst v63  }
0xae: {  	s9 =	sshll.u32 s28, $0x7;
	_ =	swait.ge [sflag:s24], $0x4000  }
0xaf: {  	s1 =	sand.u32 $0x3FFFFF80, s9;
	[sflag:s24] =	ssyncset.done $0x0  }
0xb0: {  	s1 =	sadd.s32 $0x320, s1;
	[sflag:s24] =	ssyncadd.s32 $0xFFFFC000  }
0xb1: {  	[tilespmem:s20], [sflag:$0x8] =	stream.indirect.gather.add.f32 [spmem:s2], $0x80, s1, s18, $0xb8;
	[tilespmem:$0x12320] =	vst v63  }
0xb2: {  	_ =	swait.ge [sflag:s25], $0x4000  }
0xb3: {  	[sflag:s25] =	ssyncset.done $0x0  }
0xb4: {  	s12 =	simm.s32 $0x8;
	s11 =	sadd.s32 $0x1000, s13;
	[sflag:s25] =	ssyncadd.s32 $0xFFFFC000  }
0xb5: {  	[hbm4b:s11+s3] =	stream.linear.scatter [tilespmem:s16], [sflag:$0xB], $0x4000, $0x38;
	[tilespmem:$0x12320] =	vst v63  }
0xb6: {  	_ =	swait.ge [sflag:s12], $0x4000  }
0xb7: {  	[sflag:s12] =	ssyncset.done $0x0  }
0xb8: {  	s26 =	simm.s32 $0x9;
	s13 =	rddreg [dreg:$0xb];
	[sflag:s12] =	ssyncadd.s32 $0xFFFFC000  }
0xb9: {  	[hbm4b:s13+s3] =	stream.linear.scatter [tilespmem:s20], [sflag:$0xC], $0x4000, $0x38;
	[tilespmem:$0x12320] =	vst v63  }
0xba: {  	_ =	swait.ge [sflag:s26], $0x4000  }
0xbb: {  	[sflag:s26] =	ssyncset.done $0x0  }
0xbc: {  	[sflag:s26] =	ssyncadd.s32 $0xFFFFC000  }
0xbd: {  	_ =	swait.ge [sflag:s29], $0x4000  }
0xbe: {  	[sflag:s29] =	ssyncset.done $0x0  }
0xbf: {  	[sflag:s29] =	ssyncadd.s32 $0xFFFFC000  }
0xc0: {  	_ =	swait.ge [sflag:s30], $0x4000  }
0xc1: {  	[sflag:s30] =	ssyncset.done $0x0  }
0xc2: {  	[sflag:s30] =	ssyncadd.s32 $0xFFFFC000  }
0xc3: {  	_ =	swait.ge [sflag:s31], $0x4000  }
0xc4: {  	s0 =	sadd.s32 $0x1, s0;
	s28 =	rddreg [dreg:$0xc]  }
0xc5: {  	p1 =	sne.s32 s0, s28  }
.Ltmp1:
0xc6: {  	_ = 	snop;
	(pc) =	sbr.rel @p1 .LBB2_1-.Ltmp1, $3  }
0xc7: {  	_ =	sdelay $0x1  }
0xc8: {  	[sflag:s31] =	ssyncset.done $0x0  }
0xc9: {  	[sflag:s31] =	ssyncadd.s32 $0xFFFFC000  }
0xca: {  	_ =	sfence.sel $0x180000  }
0xcb: {  	[bflag:$0x0] =	sbarrier.arrive $0xFFFF  }
0xcc: {  	_ =	strace $0x90000047  }
0xcd: {  	[bflag:$0x2] =	sbarrier.arrive $0xFFFF  }
0xce: {  	s0 =	rddreg [dreg:$0x5]  }
0xcf: {  	s0 =	sadd.s32 @!p0 $0x100000, s0  }
0xd0: {  	[sflag:s0] =	ssyncadd.tile.s32 @!p0 $0x1;
	_ =	shalt  }
.Lfunc_end2:
_tile_overlayer_lowered:
.L_overlay_start_2:
0xd1: {  	(tag) =	ssettag $0x2  }
0xd2: {  	s0 =	rddreg [dreg:$0x0];
	s2 =	stileid.u32  }
0xd3: {  	s1 =	rddreg [dreg:$0x1];
	p0 =	sne.s32 s2, $0x0  }
0xd4: {  	s3 =	rddreg [dreg:$0x2];
	[bflag:$0x3] =	sbarrier.arrive $0xFFFF;
	s2 =	simm.s32 @!p0 $0x1C0D  }
0xd5: {  	[timem:s3], [sflag:s2] =	dma.local @!p0 [hbm:s0], s1  }
0xd6: {  	s0 =	simm.s32 @!p0 $0xD  }
0xd7: {  	_ =	swait.ge @!p0 [sflag:s0], s1  }
0xd8: {  	s1 =	ssub.s32 @!p0 $0x0, s1;
	[sflag:s0] =	ssyncset.done @!p0 $0x0  }
0xd9: {  	[sflag:s0] =	ssyncadd.s32 @!p0 s1  }
0xda: {  	[bflag:$0x3] =	sbarrier.arrive $0xFFFF  }
0xdb: {  	_ =	shalt  }

</sc_bundles>
